<compile_context>
chip_gen: v7x
topology: tpu7x:2x2x1
jax: 0.10.2.dev20260603
libtpu: 0.0.44.dev20260713+nightly
codegen_flags: <defaults>
</compile_context>

<pallas_src>
import functools

import jax
import jax.numpy as jnp
from jax import lax
from jax.experimental import pallas as pl
from jax.experimental.pallas import tpu as pltpu
from jax.experimental.pallas import tpu_sc as plsc

_NC = 2
_NS = 16
_L = 16
_NW = _NC * _NS
_VP = 80


def _sc_histogram(text):
    S, B = text.shape
    cols_per_w = B // _NW
    chunk = 40 if S % 40 == 0 else S
    n_chunks = S // chunk
    mesh = plsc.VectorSubcoreMesh(
        core_axis_name="c", subcore_axis_name="s",
        num_cores=_NC, num_subcores=_NS)

    @functools.partial(
        pl.kernel,
        out_type=jax.ShapeDtypeStruct((B, _VP), jnp.float32),
        mesh=mesh,
        scratch_types=[
            pltpu.VMEM((2, chunk, cols_per_w), jnp.int32),
            pltpu.VMEM((cols_per_w, _VP), jnp.float32),
            pltpu.SemaphoreType.DMA((2,)),
        ],
        compiler_params=pltpu.CompilerParams(needs_layout_passes=False),
    )
    def hist_kernel(text_hbm, counts_hbm, text_v, counts_v, sems):
        wid = lax.axis_index("s") * _NC + lax.axis_index("c")
        c0 = wid * cols_per_w
        zeros16 = jnp.zeros((_L,), jnp.float32)
        ones16 = jnp.ones((_L,), jnp.float32)
        iota16 = lax.iota(jnp.int32, _L)

        def start_fetch(ch):
            slot = lax.rem(ch, 2)
            return pltpu.async_copy(
                text_hbm.at[pl.ds(pl.multiple_of(ch * chunk, 8), chunk),
                            pl.ds(c0, cols_per_w)],
                text_v.at[slot], sems.at[slot])

        start_fetch(0)

        def zero_blk(i, carry):
            for k in range(_VP // _L):
                counts_v[i, pl.ds(k * _L, _L)] = zeros16
            return carry

        lax.fori_loop(0, cols_per_w, zero_blk, 0)

        half = (cols_per_w // _L) // 2

        def do_chunk(ch, carry):
            slot = lax.rem(ch, 2)

            @pl.when(ch + 1 < n_chunks)
            def _():
                start_fetch(ch + 1)

            pltpu.make_async_copy(
                text_hbm.at[pl.ds(0, chunk), pl.ds(c0, cols_per_w)],
                text_v.at[slot], sems.at[slot]).wait()

            @plsc.parallel_loop(0, chunk, unroll=2)
            def do_row(s):
                for h in range(2):
                    toks = []
                    for g in range(h * half, (h + 1) * half):
                        toks.append((g, text_v[slot, s, pl.ds(g * _L, _L)]))
                    for g, t in toks:
                        plsc.addupdate_scatter(
                            counts_v.at[pl.ds(g * _L, _L)], [iota16, t],
                            ones16)

            return carry

        lax.fori_loop(0, n_chunks, do_chunk, 0)

        pltpu.sync_copy(counts_v, counts_hbm.at[pl.ds(c0, cols_per_w)])

    return hist_kernel(text)


def _tc_head_t(counts, emb_t, w_t, b2, inv_s):
    B, VP = counts.shape
    D, V = emb_t.shape
    OUT = w_t.shape[0]
    blk = 4096
    grid = B // blk

    def body(counts_ref, emb_ref, w_ref, b_ref, out_ref):
        mt = lax.dot_general(
            w_ref[...], emb_ref[...], (((1,), (0,)), ((), ())),
            preferred_element_type=jnp.float32,
            precision=lax.Precision.HIGHEST)
        mt = jnp.concatenate(
            [mt, jnp.zeros((OUT, VP - mt.shape[1]), mt.dtype)], axis=1)
        logits = lax.dot_general(
            mt, counts_ref[...], (((1,), (1,)), ((), ())),
            preferred_element_type=jnp.float32,
            precision=lax.Precision.DEFAULT) * inv_s + b_ref[...]
        mx = jnp.max(logits, axis=0, keepdims=True)
        z = logits - mx
        out_ref[...] = z - jnp.log(jnp.sum(jnp.exp(z), axis=0, keepdims=True))

    return pl.pallas_call(
        body,
        grid=(grid,),
        in_specs=[
            pl.BlockSpec((blk, VP), lambda i: (i, 0)),
            pl.BlockSpec((D, V), lambda i: (0, 0)),
            pl.BlockSpec((OUT, D), lambda i: (0, 0)),
            pl.BlockSpec((OUT, 1), lambda i: (0, 0)),
        ],
        out_specs=pl.BlockSpec((OUT, blk), lambda i: (0, i)),
        out_shape=jax.ShapeDtypeStruct((OUT, B), jnp.float32),
    )(counts, emb_t, w_t, b2)


def kernel(text, emb, W, b):
    S, _ = text.shape
    counts = _sc_histogram(text)
    out_t = _tc_head_t(counts, emb.T, W.T, b.reshape(-1, 1), 1.0 / S)
    return out_t.T

# --- scband reference (transcript-rebuilt; emitter-appended) ---
"""Pipeline reference for scband-cnn-5789615915535 (READ-ONLY COPY).

The authoritative reference and input builder live on the scoring server;
editing this copy changes nothing except your own understanding.
"""

import jax, jax.numpy as jnp
import numpy as np

VOCAB = 72
EMB = 50
OUT = 41


def setup_inputs(seed: int = 0) -> dict:
    key = jax.random.key(seed)
    k1, k2, k3, k4 = jax.random.split(key, 4)
    text = jax.random.randint(k1, (200, 16384), 0, VOCAB, dtype=jnp.int64 if jax.config.jax_enable_x64 else jnp.int32).astype(jnp.int32)
    emb = jax.random.normal(k2, (VOCAB, EMB), dtype=jnp.float32)
    W = jax.random.normal(k3, (EMB, OUT), dtype=jnp.float32) * (1.0 / np.sqrt(EMB))
    b = jax.random.normal(k4, (OUT,), dtype=jnp.float32) * 0.01
    return {"text": text, "emb": emb, "W": W, "b": b}


def reference(text, emb, W, b):
    # nn.Embedding lookup: [S, B] -> [S, B, D]
    embedded = jnp.take(emb, text, axis=0)
    # permute(1, 0, 2): [B, S, D]
    embedded = jnp.transpose(embedded, (1, 0, 2))
    # F.avg_pool2d(embedded, (S, 1)).squeeze(1): mean over sequence dim -> [B, D]
    pooled = jnp.mean(embedded, axis=1)
    # Linear
    logit = pooled @ W + b
    # F.log_softmax default dim for 2D input is dim=1
    return jax.nn.log_softmax(logit, axis=-1)

if __name__ == "__main__":
    import jax
    _d = setup_inputs()
    print(jax.jit(kernel)(*tuple(_d.values())))

</pallas_src>

<mosaic_0001>
#map = affine_map<(d0, d1) -> (0, 0)>
module attributes {stable_mosaic.version = 14 : i64} {
  func.func @hist_kernel(%arg0: i32, %arg1: i32, %arg2: memref<200x16384xi32, #tpu.memory_space<hbm>>, %arg3: memref<16384x80xf32, #tpu.memory_space<hbm>>, %arg4: memref<2x40x512xi32, #tpu.memory_space<vmem>>, %arg5: memref<512x80xf32, #tpu.memory_space<vmem>>, %arg6: memref<2x!tpu.dma_semaphore, #tpu.memory_space<semaphore_mem>>) attributes {dimension_semantics = [#tpu.dimension_semantics<core_parallel>, #tpu.dimension_semantics<subcore_parallel>], iteration_bounds = array<i64: 2, 16>, scalar_prefetch = 0 : i64, scratch_operands = 3 : i64, tpu.core_type = #tpu.core_type<sc_vector_subcore>, window_params = [{transform_indices = #map}, {transform_indices = #map}]} {
    %mul3A = arith.constant 2 : i32
    %mul3A_0 = arith.muli %arg1, %mul3A : i32
    %add3A = arith.addi %mul3A_0, %arg0 : i32
    %mul3A_1 = arith.constant 512 : i32
    %mul3A_2 = arith.muli %add3A, %mul3A_1 : i32
    %broadcast_in_dim3A = arith.constant 0.000000e+00 : f32
    %broadcast_in_dim3A_3 = vector.broadcast %broadcast_in_dim3A : f32 to vector<16xf32>
    %broadcast_in_dim3A_4 = arith.constant 1.000000e+00 : f32
    %broadcast_in_dim3A_5 = vector.broadcast %broadcast_in_dim3A_4 : f32 to vector<16xf32>
    %iota3A = tpu.iota {dimensions = array<i32: 0>} : vector<16xi32>
    %rem3A = arith.constant 0 : i32
    %rem3A_6 = arith.constant 2 : i32
    %rem3A_7 = arith.remsi %rem3A, %rem3A_6 : i32
    %multiple_of3A = arith.constant 0 : i32
    %multiple_of3A_8 = tpu.assume_multiple %multiple_of3A, 8 : i32
    %dma_start3A = arith.constant 0 : i32
    %dma_start3A_9 = arith.constant 0 : i32
    %dma_start3A_10 = tpu.memref_slice %arg4[%rem3A_7, %dma_start3A, %dma_start3A_9] : memref<2x40x512xi32, #tpu.memory_space<vmem>> -> memref<1x40x512xi32, #tpu.memory_space<vmem>>
    %dma_start3A_11 = tpu.memref_squeeze %dma_start3A_10 : memref<1x40x512xi32, #tpu.memory_space<vmem>> -> memref<40x512xi32, #tpu.memory_space<vmem>>
    %dma_start3A_12 = tpu.memref_slice %arg2[%multiple_of3A_8, %mul3A_2] : memref<200x16384xi32, #tpu.memory_space<hbm>> -> memref<40x512xi32, #tpu.memory_space<hbm>>
    %dma_start3A_13 = tpu.memref_slice %arg6[%rem3A_7] : memref<2x!tpu.dma_semaphore, #tpu.memory_space<semaphore_mem>> -> memref<1x!tpu.dma_semaphore, #tpu.memory_space<semaphore_mem>>
    %dma_start3A_14 = tpu.memref_squeeze %dma_start3A_13 : memref<1x!tpu.dma_semaphore, #tpu.memory_space<semaphore_mem>> -> memref<!tpu.dma_semaphore, #tpu.memory_space<semaphore_mem>>
    %dma_start3A_15 = arith.constant 0 : i32
    %dma_start3A_16 = arith.constant 0 : i32
    %dma_start3A_17 = tpu.memref_slice %arg4[%rem3A_7, %dma_start3A_15, %dma_start3A_16] : memref<2x40x512xi32, #tpu.memory_space<vmem>> -> memref<1x40x512xi32, #tpu.memory_space<vmem>>
    %dma_start3A_18 = tpu.memref_squeeze %dma_start3A_17 : memref<1x40x512xi32, #tpu.memory_space<vmem>> -> memref<40x512xi32, #tpu.memory_space<vmem>>
    %dma_start3A_19 = tpu.memref_slice %arg2[%multiple_of3A_8, %mul3A_2] : memref<200x16384xi32, #tpu.memory_space<hbm>> -> memref<40x512xi32, #tpu.memory_space<hbm>>
    tpu.enqueue_dma source(%dma_start3A_19 : memref<40x512xi32, #tpu.memory_space<hbm>>) target(%dma_start3A_18 : memref<40x512xi32, #tpu.memory_space<vmem>>) target_semaphore(%dma_start3A_14 : memref<!tpu.dma_semaphore, #tpu.memory_space<semaphore_mem>>)
    %scan3A = arith.constant 0 : i32
    %scan3A_20 = arith.constant 0 : i32
    %scan3A_21 = arith.constant 512 : i32
    %scan3A_22 = arith.addi %scan3A_20, %scan3A_21 : i32
    %scan3A_23 = arith.constant 1 : i32
    scf.for %scan3A_31 = %scan3A_20 to %scan3A_22 step %scan3A_23  : i32 {
      %swap3A = arith.index_cast %scan3A_31 : i32 to index
      %swap3A_32 = arith.constant 0 : index
      %swap3A_33 = tpu.vector_load %arg5[%swap3A, %swap3A_32] {strides = array<i32>} : memref<512x80xf32, #tpu.memory_space<vmem>>, vector<16xf32>,
      tpu.vector_store %arg5[%swap3A, %swap3A_32], %broadcast_in_dim3A_3 {strides = array<i32>} : memref<512x80xf32, #tpu.memory_space<vmem>>, vector<16xf32>,
      %swap3A_34 = arith.index_cast %scan3A_31 : i32 to index
      %swap3A_35 = arith.constant 16 : index
      %swap3A_36 = tpu.vector_load %arg5[%swap3A_34, %swap3A_35] {strides = array<i32>} : memref<512x80xf32, #tpu.memory_space<vmem>>, vector<16xf32>,
      tpu.vector_store %arg5[%swap3A_34, %swap3A_35], %broadcast_in_dim3A_3 {strides = array<i32>} : memref<512x80xf32, #tpu.memory_space<vmem>>, vector<16xf32>,
      %swap3A_37 = arith.index_cast %scan3A_31 : i32 to index
      %swap3A_38 = arith.constant 32 : index
      %swap3A_39 = tpu.vector_load %arg5[%swap3A_37, %swap3A_38] {strides = array<i32>} : memref<512x80xf32, #tpu.memory_space<vmem>>, vector<16xf32>,
      tpu.vector_store %arg5[%swap3A_37, %swap3A_38], %broadcast_in_dim3A_3 {strides = array<i32>} : memref<512x80xf32, #tpu.memory_space<vmem>>, vector<16xf32>,
      %swap3A_40 = arith.index_cast %scan3A_31 : i32 to index
      %swap3A_41 = arith.constant 48 : index
      %swap3A_42 = tpu.vector_load %arg5[%swap3A_40, %swap3A_41] {strides = array<i32>} : memref<512x80xf32, #tpu.memory_space<vmem>>, vector<16xf32>,
      tpu.vector_store %arg5[%swap3A_40, %swap3A_41], %broadcast_in_dim3A_3 {strides = array<i32>} : memref<512x80xf32, #tpu.memory_space<vmem>>, vector<16xf32>,
      %swap3A_43 = arith.index_cast %scan3A_31 : i32 to index
      %swap3A_44 = arith.constant 64 : index
      %swap3A_45 = tpu.vector_load %arg5[%swap3A_43, %swap3A_44] {strides = array<i32>} : memref<512x80xf32, #tpu.memory_space<vmem>>, vector<16xf32>,
      tpu.vector_store %arg5[%swap3A_43, %swap3A_44], %broadcast_in_dim3A_3 {strides = array<i32>} : memref<512x80xf32, #tpu.memory_space<vmem>>, vector<16xf32>,
    }
    %scan3A_24 = arith.constant 512 : i32
    %scan3A_25 = arith.constant 0 : i32
    %scan3A_26 = arith.constant 0 : i32
    %scan3A_27 = arith.constant 5 : i32
    %scan3A_28 = arith.addi %scan3A_26, %scan3A_27 : i32
    %scan3A_29 = arith.constant 1 : i32
    scf.for %scan3A_31 = %scan3A_26 to %scan3A_28 step %scan3A_29  : i32 {
      %rem3A_32 = arith.constant 2 : i32
      %rem3A_33 = arith.remsi %scan3A_31, %rem3A_32 : i32
      %add3A_34 = arith.constant 1 : i32
      %add3A_35 = arith.addi %scan3A_31, %add3A_34 : i32
      %lt3A = arith.constant 5 : i32
      %lt3A_36 = arith.cmpi slt, %add3A_35, %lt3A : i32
      %convert_element_type3A = arith.extui %lt3A_36 : i1 to i32
      %cond3A = arith.constant 0 : i32
      %cond3A_37 = arith.cmpi ne, %convert_element_type3A, %cond3A : i32
      scf.if %cond3A_37 {
        %add3A_53 = arith.constant 1 : i32
        %add3A_54 = arith.addi %scan3A_31, %add3A_53 : i32
        %rem3A_55 = arith.constant 2 : i32
        %rem3A_56 = arith.remsi %add3A_54, %rem3A_55 : i32
        %mul3A_57 = arith.constant 40 : i32
        %mul3A_58 = arith.muli %add3A_54, %mul3A_57 : i32
        %multiple_of3A_59 = tpu.assume_multiple %mul3A_58, 8 : i32
        %dma_start3A_60 = arith.constant 0 : i32
        %dma_start3A_61 = arith.constant 0 : i32
        %dma_start3A_62 = tpu.memref_slice %arg4[%rem3A_56, %dma_start3A_60, %dma_start3A_61] : memref<2x40x512xi32, #tpu.memory_space<vmem>> -> memref<1x40x512xi32, #tpu.memory_space<vmem>>
        %dma_start3A_63 = tpu.memref_squeeze %dma_start3A_62 : memref<1x40x512xi32, #tpu.memory_space<vmem>> -> memref<40x512xi32, #tpu.memory_space<vmem>>
        %dma_start3A_64 = tpu.memref_slice %arg2[%multiple_of3A_59, %mul3A_2] : memref<200x16384xi32, #tpu.memory_space<hbm>> -> memref<40x512xi32, #tpu.memory_space<hbm>>
        %dma_start3A_65 = tpu.memref_slice %arg6[%rem3A_56] : memref<2x!tpu.dma_semaphore, #tpu.memory_space<semaphore_mem>> -> memref<1x!tpu.dma_semaphore, #tpu.memory_space<semaphore_mem>>
        %dma_start3A_66 = tpu.memref_squeeze %dma_start3A_65 : memref<1x!tpu.dma_semaphore, #tpu.memory_space<semaphore_mem>> -> memref<!tpu.dma_semaphore, #tpu.memory_space<semaphore_mem>>
        %dma_start3A_67 = arith.constant 0 : i32
        %dma_start3A_68 = arith.constant 0 : i32
        %dma_start3A_69 = tpu.memref_slice %arg4[%rem3A_56, %dma_start3A_67, %dma_start3A_68] : memref<2x40x512xi32, #tpu.memory_space<vmem>> -> memref<1x40x512xi32, #tpu.memory_space<vmem>>
        %dma_start3A_70 = tpu.memref_squeeze %dma_start3A_69 : memref<1x40x512xi32, #tpu.memory_space<vmem>> -> memref<40x512xi32, #tpu.memory_space<vmem>>
        %dma_start3A_71 = tpu.memref_slice %arg2[%multiple_of3A_59, %mul3A_2] : memref<200x16384xi32, #tpu.memory_space<hbm>> -> memref<40x512xi32, #tpu.memory_space<hbm>>
        tpu.enqueue_dma source(%dma_start3A_71 : memref<40x512xi32, #tpu.memory_space<hbm>>) target(%dma_start3A_70 : memref<40x512xi32, #tpu.memory_space<vmem>>) target_semaphore(%dma_start3A_66 : memref<!tpu.dma_semaphore, #tpu.memory_space<semaphore_mem>>)
      } else {
      }
      %dma_wait3A = arith.constant 0 : i32
      %dma_wait3A_38 = arith.constant 0 : i32
      %dma_wait3A_39 = tpu.memref_slice %arg4[%rem3A_33, %dma_wait3A, %dma_wait3A_38] : memref<2x40x512xi32, #tpu.memory_space<vmem>> -> memref<1x40x512xi32, #tpu.memory_space<vmem>>
      %dma_wait3A_40 = tpu.memref_squeeze %dma_wait3A_39 : memref<1x40x512xi32, #tpu.memory_space<vmem>> -> memref<40x512xi32, #tpu.memory_space<vmem>>
      %dma_wait3A_41 = arith.constant 0 : i32
      %dma_wait3A_42 = tpu.memref_slice %arg2[%dma_wait3A_41, %mul3A_2] : memref<200x16384xi32, #tpu.memory_space<hbm>> -> memref<40x512xi32, #tpu.memory_space<hbm>>
      %dma_wait3A_43 = tpu.memref_slice %arg6[%rem3A_33] : memref<2x!tpu.dma_semaphore, #tpu.memory_space<semaphore_mem>> -> memref<1x!tpu.dma_semaphore, #tpu.memory_space<semaphore_mem>>
      %dma_wait3A_44 = tpu.memref_squeeze %dma_wait3A_43 : memref<1x!tpu.dma_semaphore, #tpu.memory_space<semaphore_mem>> -> memref<!tpu.dma_semaphore, #tpu.memory_space<semaphore_mem>>
      %dma_wait3A_45 = arith.constant 0 : i32
      %dma_wait3A_46 = arith.constant 0 : i32
      %dma_wait3A_47 = tpu.memref_slice %arg4[%rem3A_33, %dma_wait3A_45, %dma_wait3A_46] : memref<2x40x512xi32, #tpu.memory_space<vmem>> -> memref<1x40x512xi32, #tpu.memory_space<vmem>>
      %dma_wait3A_48 = tpu.memref_squeeze %dma_wait3A_47 : memref<1x40x512xi32, #tpu.memory_space<vmem>> -> memref<40x512xi32, #tpu.memory_space<vmem>>
      %dma_wait3A_49 = arith.constant 0 : i32
      %dma_wait3A_50 = tpu.memref_slice %arg2[%dma_wait3A_49, %mul3A_2] : memref<200x16384xi32, #tpu.memory_space<hbm>> -> memref<40x512xi32, #tpu.memory_space<hbm>>
      tpu.wait_dma2 semaphore(%dma_wait3A_44 : memref<!tpu.dma_semaphore, #tpu.memory_space<semaphore_mem>>) src(%dma_wait3A_50 : memref<40x512xi32, #tpu.memory_space<hbm>>) dst(%dma_wait3A_48 : memref<40x512xi32, #tpu.memory_space<vmem>>)
      %parallel_loop3A = arith.constant 0 : i32
      %parallel_loop3A_51 = arith.constant 40 : i32
      %parallel_loop3A_52 = arith.constant 1 : i32
      scf.for %parallel_loop3A_53 = %parallel_loop3A to %parallel_loop3A_51 step %parallel_loop3A_52  : i32 {
        %parallel_loop3A_54 = arith.index_cast %rem3A_33 : i32 to index
        %parallel_loop3A_55 = arith.index_cast %parallel_loop3A_53 : i32 to index
        %parallel_loop3A_56 = arith.constant 0 : index
        %parallel_loop3A_57 = tpu.vector_load %arg4[%parallel_loop3A_54, %parallel_loop3A_55, %parallel_loop3A_56] {strides = array<i32>} : memref<2x40x512xi32, #tpu.memory_space<vmem>>, vector<16xi32>,
        %parallel_loop3A_58 = arith.index_cast %rem3A_33 : i32 to index
        %parallel_loop3A_59 = arith.index_cast %parallel_loop3A_53 : i32 to index
        %parallel_loop3A_60 = arith.constant 16 : index
        %parallel_loop3A_61 = tpu.vector_load %arg4[%parallel_loop3A_58, %parallel_loop3A_59, %parallel_loop3A_60] {strides = array<i32>} : memref<2x40x512xi32, #tpu.memory_space<vmem>>, vector<16xi32>,
        %parallel_loop3A_62 = arith.index_cast %rem3A_33 : i32 to index
        %parallel_loop3A_63 = arith.index_cast %parallel_loop3A_53 : i32 to index
        %parallel_loop3A_64 = arith.constant 32 : index
        %parallel_loop3A_65 = tpu.vector_load %arg4[%parallel_loop3A_62, %parallel_loop3A_63, %parallel_loop3A_64] {strides = array<i32>} : memref<2x40x512xi32, #tpu.memory_space<vmem>>, vector<16xi32>,
        %parallel_loop3A_66 = arith.index_cast %rem3A_33 : i32 to index
        %parallel_loop3A_67 = arith.index_cast %parallel_loop3A_53 : i32 to index
        %parallel_loop3A_68 = arith.constant 48 : index
        %parallel_loop3A_69 = tpu.vector_load %arg4[%parallel_loop3A_66, %parallel_loop3A_67, %parallel_loop3A_68] {strides = array<i32>} : memref<2x40x512xi32, #tpu.memory_space<vmem>>, vector<16xi32>,
        %parallel_loop3A_70 = arith.index_cast %rem3A_33 : i32 to index
        %parallel_loop3A_71 = arith.index_cast %parallel_loop3A_53 : i32 to index
        %parallel_loop3A_72 = arith.constant 64 : index
        %parallel_loop3A_73 = tpu.vector_load %arg4[%parallel_loop3A_70, %parallel_loop3A_71, %parallel_loop3A_72] {strides = array<i32>} : memref<2x40x512xi32, #tpu.memory_space<vmem>>, vector<16xi32>,
        %parallel_loop3A_74 = arith.index_cast %rem3A_33 : i32 to index
        %parallel_loop3A_75 = arith.index_cast %parallel_loop3A_53 : i32 to index
        %parallel_loop3A_76 = arith.constant 80 : index
        %parallel_loop3A_77 = tpu.vector_load %arg4[%parallel_loop3A_74, %parallel_loop3A_75, %parallel_loop3A_76] {strides = array<i32>} : memref<2x40x512xi32, #tpu.memory_space<vmem>>, vector<16xi32>,
        %parallel_loop3A_78 = arith.index_cast %rem3A_33 : i32 to index
        %parallel_loop3A_79 = arith.index_cast %parallel_loop3A_53 : i32 to index
        %parallel_loop3A_80 = arith.constant 96 : index
        %parallel_loop3A_81 = tpu.vector_load %arg4[%parallel_loop3A_78, %parallel_loop3A_79, %parallel_loop3A_80] {strides = array<i32>} : memref<2x40x512xi32, #tpu.memory_space<vmem>>, vector<16xi32>,
        %parallel_loop3A_82 = arith.index_cast %rem3A_33 : i32 to index
        %parallel_loop3A_83 = arith.index_cast %parallel_loop3A_53 : i32 to index
        %parallel_loop3A_84 = arith.constant 112 : index
        %parallel_loop3A_85 = tpu.vector_load %arg4[%parallel_loop3A_82, %parallel_loop3A_83, %parallel_loop3A_84] {strides = array<i32>} : memref<2x40x512xi32, #tpu.memory_space<vmem>>, vector<16xi32>,
        %parallel_loop3A_86 = arith.index_cast %rem3A_33 : i32 to index
        %parallel_loop3A_87 = arith.index_cast %parallel_loop3A_53 : i32 to index
        %parallel_loop3A_88 = arith.constant 128 : index
        %parallel_loop3A_89 = tpu.vector_load %arg4[%parallel_loop3A_86, %parallel_loop3A_87, %parallel_loop3A_88] {strides = array<i32>} : memref<2x40x512xi32, #tpu.memory_space<vmem>>, vector<16xi32>,
        %parallel_loop3A_90 = arith.index_cast %rem3A_33 : i32 to index
        %parallel_loop3A_91 = arith.index_cast %parallel_loop3A_53 : i32 to index
        %parallel_loop3A_92 = arith.constant 144 : index
        %parallel_loop3A_93 = tpu.vector_load %arg4[%parallel_loop3A_90, %parallel_loop3A_91, %parallel_loop3A_92] {strides = array<i32>} : memref<2x40x512xi32, #tpu.memory_space<vmem>>, vector<16xi32>,
        %parallel_loop3A_94 = arith.index_cast %rem3A_33 : i32 to index
        %parallel_loop3A_95 = arith.index_cast %parallel_loop3A_53 : i32 to index
        %parallel_loop3A_96 = arith.constant 160 : index
        %parallel_loop3A_97 = tpu.vector_load %arg4[%parallel_loop3A_94, %parallel_loop3A_95, %parallel_loop3A_96] {strides = array<i32>} : memref<2x40x512xi32, #tpu.memory_space<vmem>>, vector<16xi32>,
        %parallel_loop3A_98 = arith.index_cast %rem3A_33 : i32 to index
        %parallel_loop3A_99 = arith.index_cast %parallel_loop3A_53 : i32 to index
        %parallel_loop3A_100 = arith.constant 176 : index
        %parallel_loop3A_101 = tpu.vector_load %arg4[%parallel_loop3A_98, %parallel_loop3A_99, %parallel_loop3A_100] {strides = array<i32>} : memref<2x40x512xi32, #tpu.memory_space<vmem>>, vector<16xi32>,
        %parallel_loop3A_102 = arith.index_cast %rem3A_33 : i32 to index
        %parallel_loop3A_103 = arith.index_cast %parallel_loop3A_53 : i32 to index
        %parallel_loop3A_104 = arith.constant 192 : index
        %parallel_loop3A_105 = tpu.vector_load %arg4[%parallel_loop3A_102, %parallel_loop3A_103, %parallel_loop3A_104] {strides = array<i32>} : memref<2x40x512xi32, #tpu.memory_space<vmem>>, vector<16xi32>,
        %parallel_loop3A_106 = arith.index_cast %rem3A_33 : i32 to index
        %parallel_loop3A_107 = arith.index_cast %parallel_loop3A_53 : i32 to index
        %parallel_loop3A_108 = arith.constant 208 : index
        %parallel_loop3A_109 = tpu.vector_load %arg4[%parallel_loop3A_106, %parallel_loop3A_107, %parallel_loop3A_108] {strides = array<i32>} : memref<2x40x512xi32, #tpu.memory_space<vmem>>, vector<16xi32>,
        %parallel_loop3A_110 = arith.index_cast %rem3A_33 : i32 to index
        %parallel_loop3A_111 = arith.index_cast %parallel_loop3A_53 : i32 to index
        %parallel_loop3A_112 = arith.constant 224 : index
        %parallel_loop3A_113 = tpu.vector_load %arg4[%parallel_loop3A_110, %parallel_loop3A_111, %parallel_loop3A_112] {strides = array<i32>} : memref<2x40x512xi32, #tpu.memory_space<vmem>>, vector<16xi32>,
        %parallel_loop3A_114 = arith.index_cast %rem3A_33 : i32 to index
        %parallel_loop3A_115 = arith.index_cast %parallel_loop3A_53 : i32 to index
        %parallel_loop3A_116 = arith.constant 240 : index
        %parallel_loop3A_117 = tpu.vector_load %arg4[%parallel_loop3A_114, %parallel_loop3A_115, %parallel_loop3A_116] {strides = array<i32>} : memref<2x40x512xi32, #tpu.memory_space<vmem>>, vector<16xi32>,
        %parallel_loop3A_118 = arith.constant 0 : i32
        %parallel_loop3A_119 = arith.constant 0 : i32
        %parallel_loop3A_120 = tpu.memref_slice %arg5[%parallel_loop3A_118, %parallel_loop3A_119] : memref<512x80xf32, #tpu.memory_space<vmem>> -> memref<16x80xf32, #tpu.memory_space<vmem>>
        tpu.vector_store_idx %parallel_loop3A_120[%iota3A, %parallel_loop3A_57], %broadcast_in_dim3A_5 {add = true} : memref<16x80xf32, #tpu.memory_space<vmem>>[vector<16xi32>, vector<16xi32>], vector<16xf32>,
        %parallel_loop3A_121 = arith.constant 16 : i32
        %parallel_loop3A_122 = arith.constant 0 : i32
        %parallel_loop3A_123 = tpu.memref_slice %arg5[%parallel_loop3A_121, %parallel_loop3A_122] : memref<512x80xf32, #tpu.memory_space<vmem>> -> memref<16x80xf32, #tpu.memory_space<vmem>>
        tpu.vector_store_idx %parallel_loop3A_123[%iota3A, %parallel_loop3A_61], %broadcast_in_dim3A_5 {add = true} : memref<16x80xf32, #tpu.memory_space<vmem>>[vector<16xi32>, vector<16xi32>], vector<16xf32>,
        %parallel_loop3A_124 = arith.constant 32 : i32
        %parallel_loop3A_125 = arith.constant 0 : i32
        %parallel_loop3A_126 = tpu.memref_slice %arg5[%parallel_loop3A_124, %parallel_loop3A_125] : memref<512x80xf32, #tpu.memory_space<vmem>> -> memref<16x80xf32, #tpu.memory_space<vmem>>
        tpu.vector_store_idx %parallel_loop3A_126[%iota3A, %parallel_loop3A_65], %broadcast_in_dim3A_5 {add = true} : memref<16x80xf32, #tpu.memory_space<vmem>>[vector<16xi32>, vector<16xi32>], vector<16xf32>,
        %parallel_loop3A_127 = arith.constant 48 : i32
        %parallel_loop3A_128 = arith.constant 0 : i32
        %parallel_loop3A_129 = tpu.memref_slice %arg5[%parallel_loop3A_127, %parallel_loop3A_128] : memref<512x80xf32, #tpu.memory_space<vmem>> -> memref<16x80xf32, #tpu.memory_space<vmem>>
        tpu.vector_store_idx %parallel_loop3A_129[%iota3A, %parallel_loop3A_69], %broadcast_in_dim3A_5 {add = true} : memref<16x80xf32, #tpu.memory_space<vmem>>[vector<16xi32>, vector<16xi32>], vector<16xf32>,
        %parallel_loop3A_130 = arith.constant 64 : i32
        %parallel_loop3A_131 = arith.constant 0 : i32
        %parallel_loop3A_132 = tpu.memref_slice %arg5[%parallel_loop3A_130, %parallel_loop3A_131] : memref<512x80xf32, #tpu.memory_space<vmem>> -> memref<16x80xf32, #tpu.memory_space<vmem>>
        tpu.vector_store_idx %parallel_loop3A_132[%iota3A, %parallel_loop3A_73], %broadcast_in_dim3A_5 {add = true} : memref<16x80xf32, #tpu.memory_space<vmem>>[vector<16xi32>, vector<16xi32>], vector<16xf32>,
        %parallel_loop3A_133 = arith.constant 80 : i32
        %parallel_loop3A_134 = arith.constant 0 : i32
        %parallel_loop3A_135 = tpu.memref_slice %arg5[%parallel_loop3A_133, %parallel_loop3A_134] : memref<512x80xf32, #tpu.memory_space<vmem>> -> memref<16x80xf32, #tpu.memory_space<vmem>>
        tpu.vector_store_idx %parallel_loop3A_135[%iota3A, %parallel_loop3A_77], %broadcast_in_dim3A_5 {add = true} : memref<16x80xf32, #tpu.memory_space<vmem>>[vector<16xi32>, vector<16xi32>], vector<16xf32>,
        %parallel_loop3A_136 = arith.constant 96 : i32
        %parallel_loop3A_137 = arith.constant 0 : i32
        %parallel_loop3A_138 = tpu.memref_slice %arg5[%parallel_loop3A_136, %parallel_loop3A_137] : memref<512x80xf32, #tpu.memory_space<vmem>> -> memref<16x80xf32, #tpu.memory_space<vmem>>
        tpu.vector_store_idx %parallel_loop3A_138[%iota3A, %parallel_loop3A_81], %broadcast_in_dim3A_5 {add = true} : memref<16x80xf32, #tpu.memory_space<vmem>>[vector<16xi32>, vector<16xi32>], vector<16xf32>,
        %parallel_loop3A_139 = arith.constant 112 : i32
        %parallel_loop3A_140 = arith.constant 0 : i32
        %parallel_loop3A_141 = tpu.memref_slice %arg5[%parallel_loop3A_139, %parallel_loop3A_140] : memref<512x80xf32, #tpu.memory_space<vmem>> -> memref<16x80xf32, #tpu.memory_space<vmem>>
        tpu.vector_store_idx %parallel_loop3A_141[%iota3A, %parallel_loop3A_85], %broadcast_in_dim3A_5 {add = true} : memref<16x80xf32, #tpu.memory_space<vmem>>[vector<16xi32>, vector<16xi32>], vector<16xf32>,
        %parallel_loop3A_142 = arith.constant 128 : i32
        %parallel_loop3A_143 = arith.constant 0 : i32
        %parallel_loop3A_144 = tpu.memref_slice %arg5[%parallel_loop3A_142, %parallel_loop3A_143] : memref<512x80xf32, #tpu.memory_space<vmem>> -> memref<16x80xf32, #tpu.memory_space<vmem>>
        tpu.vector_store_idx %parallel_loop3A_144[%iota3A, %parallel_loop3A_89], %broadcast_in_dim3A_5 {add = true} : memref<16x80xf32, #tpu.memory_space<vmem>>[vector<16xi32>, vector<16xi32>], vector<16xf32>,
        %parallel_loop3A_145 = arith.constant 144 : i32
        %parallel_loop3A_146 = arith.constant 0 : i32
        %parallel_loop3A_147 = tpu.memref_slice %arg5[%parallel_loop3A_145, %parallel_loop3A_146] : memref<512x80xf32, #tpu.memory_space<vmem>> -> memref<16x80xf32, #tpu.memory_space<vmem>>
        tpu.vector_store_idx %parallel_loop3A_147[%iota3A, %parallel_loop3A_93], %broadcast_in_dim3A_5 {add = true} : memref<16x80xf32, #tpu.memory_space<vmem>>[vector<16xi32>, vector<16xi32>], vector<16xf32>,
        %parallel_loop3A_148 = arith.constant 160 : i32
        %parallel_loop3A_149 = arith.constant 0 : i32
        %parallel_loop3A_150 = tpu.memref_slice %arg5[%parallel_loop3A_148, %parallel_loop3A_149] : memref<512x80xf32, #tpu.memory_space<vmem>> -> memref<16x80xf32, #tpu.memory_space<vmem>>
        tpu.vector_store_idx %parallel_loop3A_150[%iota3A, %parallel_loop3A_97], %broadcast_in_dim3A_5 {add = true} : memref<16x80xf32, #tpu.memory_space<vmem>>[vector<16xi32>, vector<16xi32>], vector<16xf32>,
        %parallel_loop3A_151 = arith.constant 176 : i32
        %parallel_loop3A_152 = arith.constant 0 : i32
        %parallel_loop3A_153 = tpu.memref_slice %arg5[%parallel_loop3A_151, %parallel_loop3A_152] : memref<512x80xf32, #tpu.memory_space<vmem>> -> memref<16x80xf32, #tpu.memory_space<vmem>>
        tpu.vector_store_idx %parallel_loop3A_153[%iota3A, %parallel_loop3A_101], %broadcast_in_dim3A_5 {add = true} : memref<16x80xf32, #tpu.memory_space<vmem>>[vector<16xi32>, vector<16xi32>], vector<16xf32>,
        %parallel_loop3A_154 = arith.constant 192 : i32
        %parallel_loop3A_155 = arith.constant 0 : i32
        %parallel_loop3A_156 = tpu.memref_slice %arg5[%parallel_loop3A_154, %parallel_loop3A_155] : memref<512x80xf32, #tpu.memory_space<vmem>> -> memref<16x80xf32, #tpu.memory_space<vmem>>
        tpu.vector_store_idx %parallel_loop3A_156[%iota3A, %parallel_loop3A_105], %broadcast_in_dim3A_5 {add = true} : memref<16x80xf32, #tpu.memory_space<vmem>>[vector<16xi32>, vector<16xi32>], vector<16xf32>,
        %parallel_loop3A_157 = arith.constant 208 : i32
        %parallel_loop3A_158 = arith.constant 0 : i32
        %parallel_loop3A_159 = tpu.memref_slice %arg5[%parallel_loop3A_157, %parallel_loop3A_158] : memref<512x80xf32, #tpu.memory_space<vmem>> -> memref<16x80xf32, #tpu.memory_space<vmem>>
        tpu.vector_store_idx %parallel_loop3A_159[%iota3A, %parallel_loop3A_109], %broadcast_in_dim3A_5 {add = true} : memref<16x80xf32, #tpu.memory_space<vmem>>[vector<16xi32>, vector<16xi32>], vector<16xf32>,
        %parallel_loop3A_160 = arith.constant 224 : i32
        %parallel_loop3A_161 = arith.constant 0 : i32
        %parallel_loop3A_162 = tpu.memref_slice %arg5[%parallel_loop3A_160, %parallel_loop3A_161] : memref<512x80xf32, #tpu.memory_space<vmem>> -> memref<16x80xf32, #tpu.memory_space<vmem>>
        tpu.vector_store_idx %parallel_loop3A_162[%iota3A, %parallel_loop3A_113], %broadcast_in_dim3A_5 {add = true} : memref<16x80xf32, #tpu.memory_space<vmem>>[vector<16xi32>, vector<16xi32>], vector<16xf32>,
        %parallel_loop3A_163 = arith.constant 240 : i32
        %parallel_loop3A_164 = arith.constant 0 : i32
        %parallel_loop3A_165 = tpu.memref_slice %arg5[%parallel_loop3A_163, %parallel_loop3A_164] : memref<512x80xf32, #tpu.memory_space<vmem>> -> memref<16x80xf32, #tpu.memory_space<vmem>>
        tpu.vector_store_idx %parallel_loop3A_165[%iota3A, %parallel_loop3A_117], %broadcast_in_dim3A_5 {add = true} : memref<16x80xf32, #tpu.memory_space<vmem>>[vector<16xi32>, vector<16xi32>], vector<16xf32>,
        %parallel_loop3A_166 = arith.index_cast %rem3A_33 : i32 to index
        %parallel_loop3A_167 = arith.index_cast %parallel_loop3A_53 : i32 to index
        %parallel_loop3A_168 = arith.constant 256 : index
        %parallel_loop3A_169 = tpu.vector_load %arg4[%parallel_loop3A_166, %parallel_loop3A_167, %parallel_loop3A_168] {strides = array<i32>} : memref<2x40x512xi32, #tpu.memory_space<vmem>>, vector<16xi32>,
        %parallel_loop3A_170 = arith.index_cast %rem3A_33 : i32 to index
        %parallel_loop3A_171 = arith.index_cast %parallel_loop3A_53 : i32 to index
        %parallel_loop3A_172 = arith.constant 272 : index
        %parallel_loop3A_173 = tpu.vector_load %arg4[%parallel_loop3A_170, %parallel_loop3A_171, %parallel_loop3A_172] {strides = array<i32>} : memref<2x40x512xi32, #tpu.memory_space<vmem>>, vector<16xi32>,
        %parallel_loop3A_174 = arith.index_cast %rem3A_33 : i32 to index
        %parallel_loop3A_175 = arith.index_cast %parallel_loop3A_53 : i32 to index
        %parallel_loop3A_176 = arith.constant 288 : index
        %parallel_loop3A_177 = tpu.vector_load %arg4[%parallel_loop3A_174, %parallel_loop3A_175, %parallel_loop3A_176] {strides = array<i32>} : memref<2x40x512xi32, #tpu.memory_space<vmem>>, vector<16xi32>,
        %parallel_loop3A_178 = arith.index_cast %rem3A_33 : i32 to index
        %parallel_loop3A_179 = arith.index_cast %parallel_loop3A_53 : i32 to index
        %parallel_loop3A_180 = arith.constant 304 : index
        %parallel_loop3A_181 = tpu.vector_load %arg4[%parallel_loop3A_178, %parallel_loop3A_179, %parallel_loop3A_180] {strides = array<i32>} : memref<2x40x512xi32, #tpu.memory_space<vmem>>, vector<16xi32>,
        %parallel_loop3A_182 = arith.index_cast %rem3A_33 : i32 to index
        %parallel_loop3A_183 = arith.index_cast %parallel_loop3A_53 : i32 to index
        %parallel_loop3A_184 = arith.constant 320 : index
        %parallel_loop3A_185 = tpu.vector_load %arg4[%parallel_loop3A_182, %parallel_loop3A_183, %parallel_loop3A_184] {strides = array<i32>} : memref<2x40x512xi32, #tpu.memory_space<vmem>>, vector<16xi32>,
        %parallel_loop3A_186 = arith.index_cast %rem3A_33 : i32 to index
        %parallel_loop3A_187 = arith.index_cast %parallel_loop3A_53 : i32 to index
        %parallel_loop3A_188 = arith.constant 336 : index
        %parallel_loop3A_189 = tpu.vector_load %arg4[%parallel_loop3A_186, %parallel_loop3A_187, %parallel_loop3A_188] {strides = array<i32>} : memref<2x40x512xi32, #tpu.memory_space<vmem>>, vector<16xi32>,
        %parallel_loop3A_190 = arith.index_cast %rem3A_33 : i32 to index
        %parallel_loop3A_191 = arith.index_cast %parallel_loop3A_53 : i32 to index
        %parallel_loop3A_192 = arith.constant 352 : index
        %parallel_loop3A_193 = tpu.vector_load %arg4[%parallel_loop3A_190, %parallel_loop3A_191, %parallel_loop3A_192] {strides = array<i32>} : memref<2x40x512xi32, #tpu.memory_space<vmem>>, vector<16xi32>,
        %parallel_loop3A_194 = arith.index_cast %rem3A_33 : i32 to index
        %parallel_loop3A_195 = arith.index_cast %parallel_loop3A_53 : i32 to index
        %parallel_loop3A_196 = arith.constant 368 : index
        %parallel_loop3A_197 = tpu.vector_load %arg4[%parallel_loop3A_194, %parallel_loop3A_195, %parallel_loop3A_196] {strides = array<i32>} : memref<2x40x512xi32, #tpu.memory_space<vmem>>, vector<16xi32>,
        %parallel_loop3A_198 = arith.index_cast %rem3A_33 : i32 to index
        %parallel_loop3A_199 = arith.index_cast %parallel_loop3A_53 : i32 to index
        %parallel_loop3A_200 = arith.constant 384 : index
        %parallel_loop3A_201 = tpu.vector_load %arg4[%parallel_loop3A_198, %parallel_loop3A_199, %parallel_loop3A_200] {strides = array<i32>} : memref<2x40x512xi32, #tpu.memory_space<vmem>>, vector<16xi32>,
        %parallel_loop3A_202 = arith.index_cast %rem3A_33 : i32 to index
        %parallel_loop3A_203 = arith.index_cast %parallel_loop3A_53 : i32 to index
        %parallel_loop3A_204 = arith.constant 400 : index
        %parallel_loop3A_205 = tpu.vector_load %arg4[%parallel_loop3A_202, %parallel_loop3A_203, %parallel_loop3A_204] {strides = array<i32>} : memref<2x40x512xi32, #tpu.memory_space<vmem>>, vector<16xi32>,
        %parallel_loop3A_206 = arith.index_cast %rem3A_33 : i32 to index
        %parallel_loop3A_207 = arith.index_cast %parallel_loop3A_53 : i32 to index
        %parallel_loop3A_208 = arith.constant 416 : index
        %parallel_loop3A_209 = tpu.vector_load %arg4[%parallel_loop3A_206, %parallel_loop3A_207, %parallel_loop3A_208] {strides = array<i32>} : memref<2x40x512xi32, #tpu.memory_space<vmem>>, vector<16xi32>,
        %parallel_loop3A_210 = arith.index_cast %rem3A_33 : i32 to index
        %parallel_loop3A_211 = arith.index_cast %parallel_loop3A_53 : i32 to index
        %parallel_loop3A_212 = arith.constant 432 : index
        %parallel_loop3A_213 = tpu.vector_load %arg4[%parallel_loop3A_210, %parallel_loop3A_211, %parallel_loop3A_212] {strides = array<i32>} : memref<2x40x512xi32, #tpu.memory_space<vmem>>, vector<16xi32>,
        %parallel_loop3A_214 = arith.index_cast %rem3A_33 : i32 to index
        %parallel_loop3A_215 = arith.index_cast %parallel_loop3A_53 : i32 to index
        %parallel_loop3A_216 = arith.constant 448 : index
        %parallel_loop3A_217 = tpu.vector_load %arg4[%parallel_loop3A_214, %parallel_loop3A_215, %parallel_loop3A_216] {strides = array<i32>} : memref<2x40x512xi32, #tpu.memory_space<vmem>>, vector<16xi32>,
        %parallel_loop3A_218 = arith.index_cast %rem3A_33 : i32 to index
        %parallel_loop3A_219 = arith.index_cast %parallel_loop3A_53 : i32 to index
        %parallel_loop3A_220 = arith.constant 464 : index
        %parallel_loop3A_221 = tpu.vector_load %arg4[%parallel_loop3A_218, %parallel_loop3A_219, %parallel_loop3A_220] {strides = array<i32>} : memref<2x40x512xi32, #tpu.memory_space<vmem>>, vector<16xi32>,
        %parallel_loop3A_222 = arith.index_cast %rem3A_33 : i32 to index
        %parallel_loop3A_223 = arith.index_cast %parallel_loop3A_53 : i32 to index
        %parallel_loop3A_224 = arith.constant 480 : index
        %parallel_loop3A_225 = tpu.vector_load %arg4[%parallel_loop3A_222, %parallel_loop3A_223, %parallel_loop3A_224] {strides = array<i32>} : memref<2x40x512xi32, #tpu.memory_space<vmem>>, vector<16xi32>,
        %parallel_loop3A_226 = arith.index_cast %rem3A_33 : i32 to index
        %parallel_loop3A_227 = arith.index_cast %parallel_loop3A_53 : i32 to index
        %parallel_loop3A_228 = arith.constant 496 : index
        %parallel_loop3A_229 = tpu.vector_load %arg4[%parallel_loop3A_226, %parallel_loop3A_227, %parallel_loop3A_228] {strides = array<i32>} : memref<2x40x512xi32, #tpu.memory_space<vmem>>, vector<16xi32>,
        %parallel_loop3A_230 = arith.constant 256 : i32
        %parallel_loop3A_231 = arith.constant 0 : i32
        %parallel_loop3A_232 = tpu.memref_slice %arg5[%parallel_loop3A_230, %parallel_loop3A_231] : memref<512x80xf32, #tpu.memory_space<vmem>> -> memref<16x80xf32, #tpu.memory_space<vmem>>
        tpu.vector_store_idx %parallel_loop3A_232[%iota3A, %parallel_loop3A_169], %broadcast_in_dim3A_5 {add = true} : memref<16x80xf32, #tpu.memory_space<vmem>>[vector<16xi32>, vector<16xi32>], vector<16xf32>,
        %parallel_loop3A_233 = arith.constant 272 : i32
        %parallel_loop3A_234 = arith.constant 0 : i32
        %parallel_loop3A_235 = tpu.memref_slice %arg5[%parallel_loop3A_233, %parallel_loop3A_234] : memref<512x80xf32, #tpu.memory_space<vmem>> -> memref<16x80xf32, #tpu.memory_space<vmem>>
        tpu.vector_store_idx %parallel_loop3A_235[%iota3A, %parallel_loop3A_173], %broadcast_in_dim3A_5 {add = true} : memref<16x80xf32, #tpu.memory_space<vmem>>[vector<16xi32>, vector<16xi32>], vector<16xf32>,
        %parallel_loop3A_236 = arith.constant 288 : i32
        %parallel_loop3A_237 = arith.constant 0 : i32
        %parallel_loop3A_238 = tpu.memref_slice %arg5[%parallel_loop3A_236, %parallel_loop3A_237] : memref<512x80xf32, #tpu.memory_space<vmem>> -> memref<16x80xf32, #tpu.memory_space<vmem>>
        tpu.vector_store_idx %parallel_loop3A_238[%iota3A, %parallel_loop3A_177], %broadcast_in_dim3A_5 {add = true} : memref<16x80xf32, #tpu.memory_space<vmem>>[vector<16xi32>, vector<16xi32>], vector<16xf32>,
        %parallel_loop3A_239 = arith.constant 304 : i32
        %parallel_loop3A_240 = arith.constant 0 : i32
        %parallel_loop3A_241 = tpu.memref_slice %arg5[%parallel_loop3A_239, %parallel_loop3A_240] : memref<512x80xf32, #tpu.memory_space<vmem>> -> memref<16x80xf32, #tpu.memory_space<vmem>>
        tpu.vector_store_idx %parallel_loop3A_241[%iota3A, %parallel_loop3A_181], %broadcast_in_dim3A_5 {add = true} : memref<16x80xf32, #tpu.memory_space<vmem>>[vector<16xi32>, vector<16xi32>], vector<16xf32>,
        %parallel_loop3A_242 = arith.constant 320 : i32
        %parallel_loop3A_243 = arith.constant 0 : i32
        %parallel_loop3A_244 = tpu.memref_slice %arg5[%parallel_loop3A_242, %parallel_loop3A_243] : memref<512x80xf32, #tpu.memory_space<vmem>> -> memref<16x80xf32, #tpu.memory_space<vmem>>
        tpu.vector_store_idx %parallel_loop3A_244[%iota3A, %parallel_loop3A_185], %broadcast_in_dim3A_5 {add = true} : memref<16x80xf32, #tpu.memory_space<vmem>>[vector<16xi32>, vector<16xi32>], vector<16xf32>,
        %parallel_loop3A_245 = arith.constant 336 : i32
        %parallel_loop3A_246 = arith.constant 0 : i32
        %parallel_loop3A_247 = tpu.memref_slice %arg5[%parallel_loop3A_245, %parallel_loop3A_246] : memref<512x80xf32, #tpu.memory_space<vmem>> -> memref<16x80xf32, #tpu.memory_space<vmem>>
        tpu.vector_store_idx %parallel_loop3A_247[%iota3A, %parallel_loop3A_189], %broadcast_in_dim3A_5 {add = true} : memref<16x80xf32, #tpu.memory_space<vmem>>[vector<16xi32>, vector<16xi32>], vector<16xf32>,
        %parallel_loop3A_248 = arith.constant 352 : i32
        %parallel_loop3A_249 = arith.constant 0 : i32
        %parallel_loop3A_250 = tpu.memref_slice %arg5[%parallel_loop3A_248, %parallel_loop3A_249] : memref<512x80xf32, #tpu.memory_space<vmem>> -> memref<16x80xf32, #tpu.memory_space<vmem>>
        tpu.vector_store_idx %parallel_loop3A_250[%iota3A, %parallel_loop3A_193], %broadcast_in_dim3A_5 {add = true} : memref<16x80xf32, #tpu.memory_space<vmem>>[vector<16xi32>, vector<16xi32>], vector<16xf32>,
        %parallel_loop3A_251 = arith.constant 368 : i32
        %parallel_loop3A_252 = arith.constant 0 : i32
        %parallel_loop3A_253 = tpu.memref_slice %arg5[%parallel_loop3A_251, %parallel_loop3A_252] : memref<512x80xf32, #tpu.memory_space<vmem>> -> memref<16x80xf32, #tpu.memory_space<vmem>>
        tpu.vector_store_idx %parallel_loop3A_253[%iota3A, %parallel_loop3A_197], %broadcast_in_dim3A_5 {add = true} : memref<16x80xf32, #tpu.memory_space<vmem>>[vector<16xi32>, vector<16xi32>], vector<16xf32>,
        %parallel_loop3A_254 = arith.constant 384 : i32
        %parallel_loop3A_255 = arith.constant 0 : i32
        %parallel_loop3A_256 = tpu.memref_slice %arg5[%parallel_loop3A_254, %parallel_loop3A_255] : memref<512x80xf32, #tpu.memory_space<vmem>> -> memref<16x80xf32, #tpu.memory_space<vmem>>
        tpu.vector_store_idx %parallel_loop3A_256[%iota3A, %parallel_loop3A_201], %broadcast_in_dim3A_5 {add = true} : memref<16x80xf32, #tpu.memory_space<vmem>>[vector<16xi32>, vector<16xi32>], vector<16xf32>,
        %parallel_loop3A_257 = arith.constant 400 : i32
        %parallel_loop3A_258 = arith.constant 0 : i32
        %parallel_loop3A_259 = tpu.memref_slice %arg5[%parallel_loop3A_257, %parallel_loop3A_258] : memref<512x80xf32, #tpu.memory_space<vmem>> -> memref<16x80xf32, #tpu.memory_space<vmem>>
        tpu.vector_store_idx %parallel_loop3A_259[%iota3A, %parallel_loop3A_205], %broadcast_in_dim3A_5 {add = true} : memref<16x80xf32, #tpu.memory_space<vmem>>[vector<16xi32>, vector<16xi32>], vector<16xf32>,
        %parallel_loop3A_260 = arith.constant 416 : i32
        %parallel_loop3A_261 = arith.constant 0 : i32
        %parallel_loop3A_262 = tpu.memref_slice %arg5[%parallel_loop3A_260, %parallel_loop3A_261] : memref<512x80xf32, #tpu.memory_space<vmem>> -> memref<16x80xf32, #tpu.memory_space<vmem>>
        tpu.vector_store_idx %parallel_loop3A_262[%iota3A, %parallel_loop3A_209], %broadcast_in_dim3A_5 {add = true} : memref<16x80xf32, #tpu.memory_space<vmem>>[vector<16xi32>, vector<16xi32>], vector<16xf32>,
        %parallel_loop3A_263 = arith.constant 432 : i32
        %parallel_loop3A_264 = arith.constant 0 : i32
        %parallel_loop3A_265 = tpu.memref_slice %arg5[%parallel_loop3A_263, %parallel_loop3A_264] : memref<512x80xf32, #tpu.memory_space<vmem>> -> memref<16x80xf32, #tpu.memory_space<vmem>>
        tpu.vector_store_idx %parallel_loop3A_265[%iota3A, %parallel_loop3A_213], %broadcast_in_dim3A_5 {add = true} : memref<16x80xf32, #tpu.memory_space<vmem>>[vector<16xi32>, vector<16xi32>], vector<16xf32>,
        %parallel_loop3A_266 = arith.constant 448 : i32
        %parallel_loop3A_267 = arith.constant 0 : i32
        %parallel_loop3A_268 = tpu.memref_slice %arg5[%parallel_loop3A_266, %parallel_loop3A_267] : memref<512x80xf32, #tpu.memory_space<vmem>> -> memref<16x80xf32, #tpu.memory_space<vmem>>
        tpu.vector_store_idx %parallel_loop3A_268[%iota3A, %parallel_loop3A_217], %broadcast_in_dim3A_5 {add = true} : memref<16x80xf32, #tpu.memory_space<vmem>>[vector<16xi32>, vector<16xi32>], vector<16xf32>,
        %parallel_loop3A_269 = arith.constant 464 : i32
        %parallel_loop3A_270 = arith.constant 0 : i32
        %parallel_loop3A_271 = tpu.memref_slice %arg5[%parallel_loop3A_269, %parallel_loop3A_270] : memref<512x80xf32, #tpu.memory_space<vmem>> -> memref<16x80xf32, #tpu.memory_space<vmem>>
        tpu.vector_store_idx %parallel_loop3A_271[%iota3A, %parallel_loop3A_221], %broadcast_in_dim3A_5 {add = true} : memref<16x80xf32, #tpu.memory_space<vmem>>[vector<16xi32>, vector<16xi32>], vector<16xf32>,
        %parallel_loop3A_272 = arith.constant 480 : i32
        %parallel_loop3A_273 = arith.constant 0 : i32
        %parallel_loop3A_274 = tpu.memref_slice %arg5[%parallel_loop3A_272, %parallel_loop3A_273] : memref<512x80xf32, #tpu.memory_space<vmem>> -> memref<16x80xf32, #tpu.memory_space<vmem>>
        tpu.vector_store_idx %parallel_loop3A_274[%iota3A, %parallel_loop3A_225], %broadcast_in_dim3A_5 {add = true} : memref<16x80xf32, #tpu.memory_space<vmem>>[vector<16xi32>, vector<16xi32>], vector<16xf32>,
        %parallel_loop3A_275 = arith.constant 496 : i32
        %parallel_loop3A_276 = arith.constant 0 : i32
        %parallel_loop3A_277 = tpu.memref_slice %arg5[%parallel_loop3A_275, %parallel_loop3A_276] : memref<512x80xf32, #tpu.memory_space<vmem>> -> memref<16x80xf32, #tpu.memory_space<vmem>>
        tpu.vector_store_idx %parallel_loop3A_277[%iota3A, %parallel_loop3A_229], %broadcast_in_dim3A_5 {add = true} : memref<16x80xf32, #tpu.memory_space<vmem>>[vector<16xi32>, vector<16xi32>], vector<16xf32>,
      } {sc.loop_unroll_factor = 2 : i64, sc.parallel_access}
    }
    %scan3A_30 = arith.constant 5 : i32
    "tpu.region"() ({
      %run_scoped3A = tpu.sem_alloc : memref<!tpu.dma_semaphore, #tpu.memory_space<semaphore_mem>>
      %dma_start3A_31 = arith.constant 0 : i32
      %dma_start3A_32 = tpu.memref_slice %arg3[%mul3A_2, %dma_start3A_31] : memref<16384x80xf32, #tpu.memory_space<hbm>> -> memref<512x80xf32, #tpu.memory_space<hbm>>
      %dma_start3A_33 = arith.constant 0 : i32
      %dma_start3A_34 = tpu.memref_slice %arg3[%mul3A_2, %dma_start3A_33] : memref<16384x80xf32, #tpu.memory_space<hbm>> -> memref<512x80xf32, #tpu.memory_space<hbm>>
      tpu.enqueue_dma source(%arg5 : memref<512x80xf32, #tpu.memory_space<vmem>>) target(%dma_start3A_34 : memref<512x80xf32, #tpu.memory_space<hbm>>) target_semaphore(%run_scoped3A : memref<!tpu.dma_semaphore, #tpu.memory_space<semaphore_mem>>)
      %dma_wait3A = arith.constant 0 : i32
      %dma_wait3A_35 = tpu.memref_slice %arg3[%mul3A_2, %dma_wait3A] : memref<16384x80xf32, #tpu.memory_space<hbm>> -> memref<512x80xf32, #tpu.memory_space<hbm>>
      %dma_wait3A_36 = arith.constant 0 : i32
      %dma_wait3A_37 = tpu.memref_slice %arg3[%mul3A_2, %dma_wait3A_36] : memref<16384x80xf32, #tpu.memory_space<hbm>> -> memref<512x80xf32, #tpu.memory_space<hbm>>
      tpu.wait_dma2 semaphore(%run_scoped3A : memref<!tpu.dma_semaphore, #tpu.memory_space<semaphore_mem>>) src(%arg5 : memref<512x80xf32, #tpu.memory_space<vmem>>) dst(%dma_wait3A_37 : memref<512x80xf32, #tpu.memory_space<hbm>>)
      tpu.yield
    }) : () -> ()
    return
  }
}

module attributes {stable_mosaic.version = 14 : i64} {
  func.func @body(%arg0: i32, %arg1: memref<4096x80xf32, #tpu.memory_space<vmem>>, %arg2: memref<50x72xf32, #tpu.memory_space<vmem>>, %arg3: memref<41x50xf32, #tpu.memory_space<vmem>>, %arg4: memref<41x1xf32, #tpu.memory_space<vmem>>, %arg5: memref<41x4096xf32, #tpu.memory_space<vmem>>) attributes {dimension_semantics = [#tpu.dimension_semantics<arbitrary>], iteration_bounds = array<i64: 4>, scalar_prefetch = 0 : i64, scratch_operands = 0 : i64, tpu.core_type = #tpu.core_type<tc>, window_params = [{transform_indices = @transform_0, window_bounds = array<i64: 4096, 80>}, {pipeline_mode = #tpu.pipeline_mode<synchronous>, transform_indices = @transform_1, window_bounds = array<i64: 50, 72>}, {pipeline_mode = #tpu.pipeline_mode<synchronous>, transform_indices = @transform_2, window_bounds = array<i64: 41, 50>}, {pipeline_mode = #tpu.pipeline_mode<synchronous>, transform_indices = @transform_3, window_bounds = array<i64: 41, 1>}, {transform_indices = @transform_4, window_bounds = array<i64: 41, 4096>}]} {
    %get3A = arith.constant 0 : index
    %get3A_0 = arith.constant 0 : index
    %get3A_1 = vector.load %arg3[%get3A, %get3A_0] : memref<41x50xf32, #tpu.memory_space<vmem>>, vector<41x50xf32>
    %get3A_2 = arith.constant 0 : index
    %get3A_3 = arith.constant 0 : index
    %get3A_4 = vector.load %arg2[%get3A_2, %get3A_3] : memref<50x72xf32, #tpu.memory_space<vmem>>, vector<50x72xf32>
    %dot_general3A = arith.constant dense<0.000000e+00> : vector<41x72xf32>
    %dot_general3A_5 = tpu.matmul %get3A_1, %get3A_4, %dot_general3A {dimension_numbers = #tpu.dot_dimension_numbers<[1], [0], [0], [1], [0, 0, 1, 1], [], []>, precision = #tpu.contract_precision<fp32>, transpose_lhs_hint = false} : vector<41x50xf32>, vector<50x72xf32>, vector<41x72xf32> -> vector<41x72xf32>
    %broadcast_in_dim3A = arith.constant 0.000000e+00 : f32
    %broadcast_in_dim3A_6 = vector.broadcast %broadcast_in_dim3A : f32 to vector<41x8xf32>
    %concatenate3A = tpu.concatenate %dot_general3A_5, %broadcast_in_dim3A_6 in 1 : vector<41x72xf32>, vector<41x8xf32> -> vector<41x80xf32>
    %get3A_7 = arith.constant 0 : index
    %get3A_8 = arith.constant 0 : index
    %get3A_9 = vector.load %arg1[%get3A_7, %get3A_8] : memref<4096x80xf32, #tpu.memory_space<vmem>>, vector<4096x80xf32>
    %dot_general3A_10 = arith.constant dense<0.000000e+00> : vector<41x4096xf32>
    %dot_general3A_11 = tpu.matmul %concatenate3A, %get3A_9, %dot_general3A_10 {dimension_numbers = #tpu.dot_dimension_numbers<[1], [1], [0], [0], [0, 0, 1, 0], [], []>, transpose_lhs_hint = false} : vector<41x80xf32>, vector<4096x80xf32>, vector<41x4096xf32> -> vector<41x4096xf32>
    %mul3A = arith.constant 5.000000e-03 : f32
    %mul3A_12 = vector.broadcast %mul3A : f32 to vector<41x4096xf32>
    %mul3A_13 = arith.mulf %dot_general3A_11, %mul3A_12 : vector<41x4096xf32>
    %get3A_14 = arith.constant 0 : index
    %get3A_15 = arith.constant 0 : index
    %get3A_16 = vector.load %arg4[%get3A_14, %get3A_15] : memref<41x1xf32, #tpu.memory_space<vmem>>, vector<41x1xf32>
    %add3A = vector.broadcast %get3A_16 : vector<41x1xf32> to vector<41x4096xf32>
    %add3A_17 = arith.addf %mul3A_13, %add3A : vector<41x4096xf32>
    %reduce_max3A = arith.constant dense<0xFF800000> : vector<4096xf32>
    %reduce_max3A_18 = vector.multi_reduction <maximumf>, %add3A_17, %reduce_max3A [0] : vector<41x4096xf32> to vector<4096xf32>
    %broadcast_in_dim3A_19 = vector.shape_cast %reduce_max3A_18 : vector<4096xf32> to vector<1x4096xf32>
    %sub3A = vector.broadcast %broadcast_in_dim3A_19 : vector<1x4096xf32> to vector<41x4096xf32>
    %sub3A_20 = arith.subf %add3A_17, %sub3A : vector<41x4096xf32>
    %exp3A = math.exp %sub3A_20 : vector<41x4096xf32>
    %reduce_sum3A = arith.constant dense<0.000000e+00> : vector<4096xf32>
    %reduce_sum3A_21 = vector.multi_reduction <add>, %exp3A, %reduce_sum3A [0] : vector<41x4096xf32> to vector<4096xf32>
    %broadcast_in_dim3A_22 = vector.shape_cast %reduce_sum3A_21 : vector<4096xf32> to vector<1x4096xf32>
    %log3A = math.log %broadcast_in_dim3A_22 : vector<1x4096xf32>
    %sub3A_23 = vector.broadcast %log3A : vector<1x4096xf32> to vector<41x4096xf32>
    %sub3A_24 = arith.subf %sub3A_20, %sub3A_23 : vector<41x4096xf32>
    %swap3A = arith.constant 0 : index
    %swap3A_25 = arith.constant 0 : index
    %swap3A_26 = vector.load %arg5[%swap3A, %swap3A_25] : memref<41x4096xf32, #tpu.memory_space<vmem>>, vector<41x4096xf32>
    tpu.vector_store %arg5[%swap3A, %swap3A_25], %sub3A_24 {strides = array<i32>} : memref<41x4096xf32, #tpu.memory_space<vmem>>, vector<41x4096xf32>,
    return
  }
  func.func @transform_0(%arg0: i32) -> (i32, i32) {
    %c0_i32 = arith.constant 0 : i32
    %c0_i32_0 = arith.constant 0 : i32
    return %arg0, %c0_i32 : i32, i32
  }
  func.func @transform_1(%arg0: i32) -> (i32, i32) {
    %c0_i32 = arith.constant 0 : i32
    %c0_i32_0 = arith.constant 0 : i32
    %c0_i32_1 = arith.constant 0 : i32
    return %c0_i32, %c0_i32_0 : i32, i32
  }
  func.func @transform_2(%arg0: i32) -> (i32, i32) {
    %c0_i32 = arith.constant 0 : i32
    %c0_i32_0 = arith.constant 0 : i32
    %c0_i32_1 = arith.constant 0 : i32
    return %c0_i32, %c0_i32_0 : i32, i32
  }
  func.func @transform_3(%arg0: i32) -> (i32, i32) {
    %c0_i32 = arith.constant 0 : i32
    %c0_i32_0 = arith.constant 0 : i32
    %c0_i32_1 = arith.constant 0 : i32
    return %c0_i32, %c0_i32_0 : i32, i32
  }
  func.func @transform_4(%arg0: i32) -> (i32, i32) {
    %c0_i32 = arith.constant 0 : i32
    %c0_i32_0 = arith.constant 0 : i32
    return %c0_i32, %arg0 : i32, i32
  }
}

</mosaic_0001>

<sc_bundles>
// kernel: kernel.4.cloned.1.call-start
scs
__scs_entry_jumppad:
0x0: {  	(pc) =	sbr.rel $0x88, $3  }
0x1: {  	(tag) =	ssettag $0x0;
	lr =	simm.s32 $0x1  }
0x2: {  	[smem:$0x3F9D] =	sst lr;
	_ =	strace $0xD0000000  }
0x3: {  	_ = 	snop  }
0x4: {  	_ = 	snop  }
0x5: {  	_ = 	snop  }
0x6: {  	_ = 	snop  }
0x7: {  	_ = 	snop  }
__scs_overlays_trampoline_lowered:
0x8: {  	[smem:$0x3FAC] =	sst s0  }
0x9: {  	[smem:$0x3FAD] =	sst s1  }
0xa: {  	[smem:$0x3FAE] =	sst s2  }
0xb: {  	[smem:$0x3FAF] =	sst s3  }
0xc: {  	[smem:$0x3FB0] =	sst s4  }
0xd: {  	[smem:$0x3FB1] =	sst s5  }
0xe: {  	[smem:$0x3FB2] =	sst s6  }
0xf: {  	[smem:$0x3FB3] =	sst s7  }
0x10: {  	[smem:$0x3FB4] =	sst s8  }
0x11: {  	[smem:$0x3FB5] =	sst s9;
	s0 =	simm.s32 @!p0 $0x0  }
0x12: {  	s1 =	sld [smem:$0x3F9B];
	s0 =	simm.s32 @p0 $0x1  }
0x13: {  	[smem:$0x3FB6] =	sst s0;
	s0 =	simm.s32 @!p1 $0x0  }
0x14: {  	s2 =	sld [smem:$0x3F9A];
	s0 =	simm.s32 @p1 $0x1  }
0x15: {  	[smem:$0x3FB7] =	sst s0;
	s0 =	simm.s32 @!p2 $0x0  }
0x16: {  	s3 =	sld [smem:$0x3FDB];
	s0 =	simm.s32 @p2 $0x1  }
0x17: {  	s4 =	simm.s32 $0x1BF5;
	[smem:$0x3FB9] =	sst s0  }
0x18: {  	s0 =	sld [smem:$0x3F9C];
	_ =	swait.ge [sflag:s4], $0x0  }
0x19: {  	s7 =	sld [smem:$0x3F9D]  }
0x1a: {  	s8 =	sadd.s32 $0xFFFFE003, lr  }
0x1b: {  	s9 =	sadd.s32 $0xFFFFFEF7, lr;
	s5 =	simm.s32 $0xFFFFFFFF;
	p2 =	slt.u32 s8, $0xFFFFF086  }
0x1c: {  	p1 =	slt.u32 s9, $0xF7A;
	s5 =	simm.s32 @!p2 $0x0  }
0x1d: {  	s5 =	simm.s32 @p1 $0x1;
	p0 =	seq.s32 s7, s2  }
0x1e: {  	s7 =	smul.u32 @!p0 $0xF7A, s2;
	p2 =	seq.s32 @!p0 s5, $0x0  }
0x1f: {  	s9 =	smul.u32 $0xF7A, s1;
	s8 =	simm.s32 @!p0 $0x1BF5;
	p2 =	por !p2, p0  }
0x20: {  	[sflag:s8] =	ssyncset.s32 @!p0 $0xFFFFF086;
	s6 =	sadd.s32 @!p0 s3, s7;
	s7 =	simm.s32 @!p0 $0x108  }
0x21: {  	s3 =	sadd.s32 s3, s9;
	s6 =	sadd.s32 @!p0 $0x88, s6;
	s7 =	simm.s32 @p2 $0x1082  }
0x22: {  	[simem:s7], [sflag:s8] =	dma.local @!p0 [hbm:s6], $0xF7A  }
0x23: {  	s9 =	sor.u32 $0xD0000000, s2;
	s6 =	simm.s32 $0x108;
	_ =	swait.ge @!p0 [sflag:s8], $0x0  }
0x24: {  	s3 =	sadd.s32 $0x88, s3;
	s6 =	simm.s32 @!p1 $0x1082;
	[sflag:s4] =	ssyncset.s32 $0xFFFFF086  }
0x25: {  	[simem:s6], [sflag:s4] =	dma.local [hbm:s3], $0xF7A  }
0x26: {  	[smem:$0x3F9D] =	sst s1;
	(tag) =	ssettag s2;
	_ =	strace s9  }
0x27: {  	s1 =	sld [smem:$0x3FAD]  }
0x28: {  	s2 =	sld [smem:$0x3FAE]  }
0x29: {  	s4 =	sld [smem:$0x3FB0]  }
0x2a: {  	p0 =	seq.s32 s5, $0x0;
	s5 =	sld [smem:$0x3FB1]  }
0x2b: {  	s6 =	sld [smem:$0x3FB2]  }
0x2c: {  	s7 =	sld [smem:$0x3FB3]  }
0x2d: {  	s3 =	simm.s32 $0x108;
	s8 =	sld [smem:$0x3FB4]  }
0x2e: {  	s3 =	simm.s32 @!p0 $0x1082;
	s9 =	sld [smem:$0x3FB5]  }
0x2f: {  	lr =	sadd.s32 s0, s3;
	s0 =	sld [smem:$0x3FAC]  }
0x30: {  	s3 =	sld [smem:$0x3FAF]  }
0x31: {  	[smem:$0x3FB8] =	sst s10  }
0x32: {  	s10 =	sld [smem:$0x3FB6];
	_ =	sdelay $0x3  }
0x33: {  	p0 =	seq.s32 s10, $0x1;
	s10 =	sld [smem:$0x3FB8];
	_ =	sdelay $0x3  }
0x34: {  	[smem:$0x3FB8] =	sst s10  }
0x35: {  	s10 =	sld [smem:$0x3FB7];
	_ =	sdelay $0x3  }
0x36: {  	p1 =	seq.s32 s10, $0x1;
	s10 =	sld [smem:$0x3FB8];
	_ =	sdelay $0x3  }
0x37: {  	[smem:$0x3FB8] =	sst s10  }
0x38: {  	s10 =	sld [smem:$0x3FB9]  }
0x39: {  	_ = 	snop;
	(pc) =	sbr.ind lr, $3  }
0x3a: {  	_ = 	snop  }
0x3b: {  	_ = 	snop  }
0x3c: {  	p2 =	seq.s32 s10, $0x1;
	s10 =	sld [smem:$0x3FB8]  }
0x3d: {  	_ =	shalt  }
0x3e: {  	_ =	shalt  }
0x3f: {  	_ =	shalt  }
0x40: {  	_ =	shalt  }
0x41: {  	_ =	shalt  }
0x42: {  	_ =	shalt  }
0x43: {  	_ =	shalt  }
0x44: {  	_ =	shalt  }
0x45: {  	_ =	shalt  }
0x46: {  	_ =	shalt  }
0x47: {  	_ =	shalt  }
0x48: {  	_ =	shalt  }
0x49: {  	_ =	shalt  }
0x4a: {  	_ =	shalt  }
0x4b: {  	_ =	shalt  }
0x4c: {  	_ =	shalt  }
0x4d: {  	_ =	shalt  }
0x4e: {  	_ =	shalt  }
0x4f: {  	_ =	shalt  }
0x50: {  	_ =	shalt  }
0x51: {  	_ =	shalt  }
0x52: {  	_ =	shalt  }
0x53: {  	_ =	shalt  }
0x54: {  	_ =	shalt  }
0x55: {  	_ =	shalt  }
0x56: {  	_ =	shalt  }
0x57: {  	_ =	shalt  }
0x58: {  	_ =	shalt  }
0x59: {  	_ =	shalt  }
0x5a: {  	_ =	shalt  }
0x5b: {  	_ =	shalt  }
0x5c: {  	_ =	shalt  }
0x5d: {  	_ =	shalt  }
0x5e: {  	_ =	shalt  }
0x5f: {  	_ =	shalt  }
0x60: {  	_ =	shalt  }
0x61: {  	_ =	shalt  }
0x62: {  	_ =	shalt  }
0x63: {  	_ =	shalt  }
0x64: {  	_ =	shalt  }
0x65: {  	_ =	shalt  }
0x66: {  	_ =	shalt  }
0x67: {  	_ =	shalt  }
0x68: {  	_ =	shalt  }
0x69: {  	_ =	shalt  }
0x6a: {  	_ =	shalt  }
0x6b: {  	_ =	shalt  }
0x6c: {  	_ =	shalt  }
0x6d: {  	_ =	shalt  }
0x6e: {  	_ =	shalt  }
0x6f: {  	_ =	shalt  }
0x70: {  	_ =	shalt  }
0x71: {  	_ =	shalt  }
0x72: {  	_ =	shalt  }
0x73: {  	_ =	shalt  }
0x74: {  	_ =	shalt  }
0x75: {  	_ =	shalt  }
0x76: {  	_ =	shalt  }
0x77: {  	_ =	shalt  }
0x78: {  	_ =	shalt  }
0x79: {  	_ =	shalt  }
0x7a: {  	_ =	shalt  }
0x7b: {  	_ =	shalt  }
0x7c: {  	_ =	shalt  }
0x7d: {  	_ =	shalt  }
0x7e: {  	_ =	shalt  }
0x7f: {  	_ =	shalt  }
0x80: {  	_ =	shalt  }
0x81: {  	_ =	shalt  }
0x82: {  	_ =	shalt  }
0x83: {  	_ =	shalt  }
0x84: {  	_ =	shalt  }
0x85: {  	_ =	shalt  }
0x86: {  	_ =	shalt  }
0x87: {  	_ =	shalt  }
.Lfunc_end0:
.L_simem_size_0:
called_computation_lowered:
.L_overlay_start_0:
0x88: {  	s2 =	sld [smem:$0x3FD9]  }
0x89: {  	s3 =	sld [smem:$0x3FFE];
	_ =	sdelay $0x1  }
0x8a: {  	s1 =	srdreg.scid  }
0x8b: {  	s0 =	sand.u32 $0x1, s1  }
0x8c: {  	s17 =	sshll.u32 s0, $0xA;
	s2 =	sadd.s32 s3, s2  }
0x8d: {  	s2 =	sadd.s32 s2, s17  }
0x8e: {  	[smem:$0x3FC4] =	sst s2  }
0x8f: {  	_ = 	snop  }
0x90: {  	s2 =	sld [smem:$0x3FC9];
	(tm) =	ssettm $0x1  }
0x91: {  	s18 =	sld [smem:$0x3FFB];
	_ =	sdelay $0x3  }
0x92: {  	_ =	strace s18  }
0x93: {  	s3 =	sld [smem:$0x3FFC];
	_ =	sdelay $0x3  }
0x94: {  	_ =	strace s3  }
0x95: {  	s3 =	sld [smem:$0x3FFD];
	_ =	sdelay $0x3  }
0x96: {  	_ =	strace s3  }
0x97: {  	_ =	strace $0x8FFFFFFF  }
0x98: {  	s19 =	sld [smem:$0x3FDB];
	_ =	sdelay $0x1  }
0x99: {  	s4 =	simm.s32 $_scs_section_size  }
0x9a: {  	s5 =	simm.s32 $_size__tile_overlayer_lowered;
	s6 =	simm.s32 $_tile_overlayer_lowered  }
0x9b: {  	s22 =	simm.s32 $0x1BFF;
	s21 =	sshll.u32 s6, $0x1;
	s3 =	sadd.s32 s4, s19  }
0x9c: {  	s7 =	simm.s32 $0x0;
	s20 =	sshll.u32 s5, $0x1;
	s5 =	sadd.s32 s21, s3  }
0x9d: {  	[timem:s7], [sflag:s22] =	dma.local [hbm:s5], s20  }
0x9e: {  	_ =	swait.ge [sflag:s22], s20  }
0x9f: {  	s4 =	ssub.s32 $0x0, s20;
	[sflag:s22] =	ssyncset.done $0x0  }
0xa0: {  	[sflag:s22] =	ssyncadd.s32 s4;
	_ =	sdelay $0x1  }
0xa1: {  	s23 =	simm.s32 $0x1B8B  }
0xa2: {  	_ =	swait.ge [sflag:s23], $0x1  }
0xa3: {  	[sflag:s23] =	ssyncset.done $0x0  }
0xa4: {  	s25 =	simm.s32 $0x1B8E;
	s24 =	sld [smem:$0x3FFE];
	[sflag:s23] =	ssyncadd.s32 $0xFFFFFFFF  }
0xa5: {  	s26 =	simm.s32 $execute0_lowered;
	[smem:$0x3FD2] =	sst s25  }
0xa6: {  	s5 =	sshll.u32 s26, $0x1;
	_ =	strace $0x80000046;
	[dreg:$0x1] =	wrdreg $0xFFFFFFFF  }
0xa7: {  	s28 =	simm.s32 $_size_execute0_lowered;
	s3 =	sadd.s32 s3, s5;
	[dreg:$0x0] =	wrdreg $0x0  }
0xa8: {  	s5 =	sshll.u32 s28, $0x1;
	[dreg:$0x2] =	wrdreg s3  }
0xa9: {  	[dreg:$0x3] =	wrdreg s5  }
0xaa: {  	[dreg:$0x4] =	wrdreg $0xC0  }
0xab: {  	_ =	task [dreg:s7], $0x5FFFF  }
0xac: {  	[dreg:$0x1] =	wrdreg $0xFFFFFFFF  }
0xad: {  	[dreg:$0x0] =	wrdreg $0x60  }
0xae: {  	[dreg:$0x2] =	wrdreg s2  }
0xaf: {  	[dreg:$0x3] =	wrdreg s24  }
0xb0: {  	[dreg:$0x4] =	wrdreg $0x9  }
0xb1: {  	_ =	task.clear_ibuf [dreg:s7], $0x5FFFF;
	_ =	strace $0x90000046  }
0xb2: {  	s29 =	simm.s32 $0x9;
	_ =	strace $0x80000048  }
0xb3: {  	_ =	swait.ge [sflag:s29], $0x1  }
0xb4: {  	[sflag:s29] =	ssyncadd.s32 $0xFFFFFFFF  }
0xb5: {  	_ =	strace $0x90000048  }
0xb6: {  	_ =	sfence  }
0xb7: {  	s30 =	sld [smem:$0x0];
	_ =	sdelay $0x2  }
0xb8: {  	s31 =	sshll.u32 s1, $0xD;
	s1 =	sshrl.u32 s1, $0x2  }
0xb9: {  	s3 =	sand.u32 $0x4000, s31;
	s1 =	sadd.s32 s1, s30  }
0xba: {  	s0 =	sor.u32 s3, s0;
	s1 =	sshll.u32 s1, $0x11  }
0xbb: {  	s0 =	sor.u32 s1, s0  }
0xbc: {  	s0 =	sadd.s32 $0x8F2B, s0  }
0xbd: {  	[sflag:s0] =	ssyncadd.remote.s32 $0x1  }
0xbe: {  	_ =	sfence.sel $0xFFFF  }
0xbf: {  	[dreg:$0x0] =	wrdreg $0xFFFFFFFF;
	(pc) =	sbr.abs _section_cstart, $3  }
0xc0: {  	[dreg:$0x1] =	wrdreg $0xFFFFFFFF  }
0xc1: {  	_ =	task.clear_ibuf [dreg:s7], $0x2FFFF;
	_ =	strace $0x9FFFFFFF  }
0xc2: {  	(tm) =	ssettm $0x7FFFFFFF  }
0xc3: {  	_ =	shalt  }
tec
execute0_lowered:
.L_overlay_start_1:
0x0: {  	(tag) =	ssettag $0x1  }
0x1: {  	s0 =	rddreg [dreg:$0x0];
	s1 =	srdreg.scid  }
0x2: {  	s2 =	rddreg [dreg:$0x1];
	s3 =	stileid.u32  }
0x3: {  	s9 =	simm.s32 $0x0;
	s13 =	simm.s32 $0xA000;
	s14 =	simm.s32 $0xA800  }
0x4: {  	s30 =	simm.s32 $0x12800;
	s1 =	sand.u32 $0x1, s1;
	s3 =	sshll.u32 s3, $0xA  }
0x5: {  	[smem:$0x7FF] =	sst s9;
	s4 =	sshll.u32 s1, $0x9;
	s1 =	ssub.s32 $0x2, s1  }
0x6: {  	_ =	strace $0x80000047;
	s3 =	sor.u32 s4, s3;
	s5 =	sshrl.u32 s1, $0x1  }
0x7: {  	s4 =	sshll.u32 s3, $0x4;
	s1 =	ssub.s32 s1, s5;
	s0 =	sadd.s32 s0, s3  }
0x8: {  	s2 =	sadd.s32 s4, s2;
	[dreg:$0x4] =	wrdreg s0;
	s28 =	smax.u32 s1, $0x1  }
0x9: {  	s31 =	simm.s32 $0x13800;
	v1 =	vlaneseq.u32;
	s26 =	sadd.s32 $0xC00, s2;
	[dreg:$0x6] =	wrdreg s28  }
0xa: {  	v0 =	vimm.f32 $0.0e+00;
	v2 =	vimm.f32 $1.000000000e+00;
	s29 =	simm.s32 $0x10000;
	v1 =	vmul.u32 $0x80, v1;
	s1 =	simm.s32 $0x0;
	[dreg:$0x5] =	wrdreg s26  }
.LBB2_1:
0xb: {  	s10 =	rddreg [dreg:$0x4];
	s11 =	simm.s32 $0x1000;
	s12 =	simm.s32 $0x20000  }
0xc: {  	[tilespmem:s9], [sflag:$0x1] =	stream.strided.gather [hbm4b:s10+s11], $0x5000, s12, s11, $0x38;
	[tilespmem:$0x1A000] =	vst v63  }
0xd: {  	[dreg:$0x7] =	wrdreg s1;
	s10 =	simm.s32 $0x200;
	s9 =	simm.s32 $0x0  }
.LBB2_2:
0xe: {  	p0 =	seq.s32 s10, $0x3FE00;
	[tilespmem:s9+$0xA040] =	vst v0;
	s11 =	smov.u32 s10;
	s10 =	sadd.s32 $0x200, s10  }
.Ltmp0:
0xf: {  	[tilespmem:s9+$0xA030] =	vst v0;
	(pc) =	sbr.rel @!p0 .LBB2_2-.Ltmp0, $4  }
0x10: {  	[tilespmem:s9+$0xA020] =	vst v0  }
0x11: {  	[tilespmem:s9+$0xA000] =	vst v0  }
0x12: {  	[tilespmem:s9+$0xA010] =	vst v0  }
0x13: {  	s9 =	sshra.s32 s11, $0x2  }
0x14: {  	[tilespmem:s9+$0xA040] =	vst v0  }
0x15: {  	[tilespmem:s9+$0xA030] =	vst v0  }
0x16: {  	[tilespmem:s9+$0xA020] =	vst v0  }
0x17: {  	[tilespmem:s9+$0xA000] =	vst v0  }
0x18: {  	[tilespmem:s9+$0xA010] =	vst v0;
	s9 =	simm.s32 $0x0  }
.LBB2_5:
0x19: {  	s0 =	sadd.s32 $0x1, s9;
	p0 =	seq.s32 s9, $0x4  }
0x1a: {  	s10 =	sand.u32 @!p0 $0x1, s0  }
0x1b: {  	s11 =	smul.u32 @!p0 $0x14000, s10  }
0x1c: {  	[dreg:$0x8] =	wrdreg s0;
	s12 =	smul.u32 @!p0 $0x14000, s0  }
0x1d: {  	s1 =	simm.s32 @!p0 $0x1000;
	s0 =	sshrl.u32 @!p0 s11, $0x2;
	s11 =	rddreg [dreg:$0x4]  }
0x1e: {  	s10 =	sadd.s32 @!p0 $0x1, s10;
	s12 =	sadd.s32 @!p0 s12, s11;
	s11 =	simm.s32 @!p0 $0x20000  }
0x1f: {  	[tilespmem:s0], [sflag:s10] =	stream.strided.gather @!p0 [hbm4b:s12+s1], $0x5000, s11, s1, $0x38;
	[tilespmem:$0x1A000] =	vst v63  }
0x20: {  	s10 =	sand.u32 $0x1, s9  }
0x21: {  	s11 =	smul.u32 $0x14000, s10;
	_ =	sdelay $0x1  }
0x22: {  	s9 =	sadd.s32 $0x1, s10;
	s10 =	sshrl.u32 s11, $0x2  }
0x23: {  	s12 =	simm.s32 $0x0;
	_ =	swait.ge [sflag:s9], $0x5000;
	[dreg:$0x3] =	wrdreg s10  }
0x24: {  	s15 =	sand.u32 $0x7000, s12;
	s10 =	rddreg [dreg:$0x3]  }
0x25: {  	s16 =	sand.u32 $0x300, s12;
	[sflag:s9] =	ssyncset.done $0x0;
	s10 =	sadd.s32 s15, s10  }
0x26: {  	[sflag:s9] =	ssyncadd.s32 $0xFFFFB000;
	s9 =	sadd.s32 s16, s10  }
0x27: {  	v3 =	vld [tilespmem:s9+$0x80]  }
0x28: {  	v4 =	vld [tilespmem:s9+$0x90]  }
0x29: {  	v5 =	vld [tilespmem:s9+$0xA0]  }
0x2a: {  	v6 =	vld [tilespmem:s9+$0xB0]  }
0x2b: {  	v7 =	vld [tilespmem:s9+$0xC0]  }
0x2c: {  	v8 =	vld [tilespmem:s9+$0xD0]  }
0x2d: {  	v9 =	vld [tilespmem:s9+$0xE0]  }
0x2e: {  	v10 =	vld [tilespmem:s9+$0xF0]  }
0x2f: {  	v11 =	vld [tilespmem:s9+$0x480]  }
0x30: {  	v12 =	vld [tilespmem:s9+$0x490]  }
0x31: {  	v13 =	vld [tilespmem:s9+$0x4A0]  }
0x32: {  	v14 =	vld [tilespmem:s9+$0x4B0]  }
0x33: {  	v15 =	vld [tilespmem:s9+$0x4C0]  }
0x34: {  	v16 =	vld [tilespmem:s9+$0x4D0]  }
0x35: {  	v17 =	vld [tilespmem:s9+$0x4E0]  }
0x36: {  	v18 =	vld [tilespmem:s9+$0x4F0]  }
0x37: {  	v43 =	vld [tilespmem:s9+$0x60]  }
0x38: {  	v44 =	vld [tilespmem:s9+$0x70];
	v3 =	vadd.s32 v1, v3  }
0x39: {  	v45 =	vld [tilespmem:s9+$0x400];
	v4 =	vadd.s32 v1, v4  }
0x3a: {  	v46 =	vld [tilespmem:s9+$0x410];
	v5 =	vadd.s32 v1, v5  }
0x3b: {  	v47 =	vld [tilespmem:s9+$0x420];
	v6 =	vadd.s32 v1, v6  }
0x3c: {  	v48 =	vld [tilespmem:s9+$0x430];
	v7 =	vadd.s32 v1, v7  }
0x3d: {  	[tilespmem:v3+s13+$0x0] =	vst.idx.add.f32.msk $0xffff, v2;
	v3 =	vadd.s32 v1, v8  }
0x3e: {  	s12 =	simm.s32 $0xB000;
	[tilespmem:v4+s14+$0x0] =	vst.idx.add.f32.msk $0xffff, v2;
	v4 =	vadd.s32 v1, v9  }
0x3f: {  	s18 =	simm.s32 $0xB800;
	[tilespmem:v5+s12+$0x0] =	vst.idx.add.f32.msk $0xffff, v2;
	v5 =	vadd.s32 v1, v10  }
0x40: {  	s19 =	simm.s32 $0xC000;
	[tilespmem:v6+s18+$0x0] =	vst.idx.add.f32.msk $0xffff, v2;
	v6 =	vadd.s32 v1, v11  }
0x41: {  	s20 =	simm.s32 $0xC800;
	[tilespmem:v7+s19+$0x0] =	vst.idx.add.f32.msk $0xffff, v2;
	v7 =	vadd.s32 v1, v12  }
0x42: {  	s21 =	simm.s32 $0xD000;
	[tilespmem:v3+s20+$0x0] =	vst.idx.add.f32.msk $0xffff, v2;
	v3 =	vadd.s32 v1, v13  }
0x43: {  	s22 =	simm.s32 $0xD800;
	[tilespmem:v4+s21+$0x0] =	vst.idx.add.f32.msk $0xffff, v2;
	v4 =	vadd.s32 v1, v14  }
0x44: {  	s23 =	simm.s32 $0xE000;
	[tilespmem:v5+s22+$0x0] =	vst.idx.add.f32.msk $0xffff, v2;
	v5 =	vadd.s32 v1, v15  }
0x45: {  	s24 =	simm.s32 $0xE800;
	[tilespmem:v6+s23+$0x0] =	vst.idx.add.f32.msk $0xffff, v2;
	v6 =	vadd.s32 v1, v16  }
0x46: {  	s25 =	simm.s32 $0xF000;
	[tilespmem:v7+s24+$0x0] =	vst.idx.add.f32.msk $0xffff, v2;
	v7 =	vadd.s32 v1, v17  }
0x47: {  	s26 =	simm.s32 $0xF800;
	[tilespmem:v3+s25+$0x0] =	vst.idx.add.f32.msk $0xffff, v2;
	v3 =	vadd.s32 v1, v18  }
0x48: {  	s28 =	simm.s32 $0x10000;
	[tilespmem:v4+s26+$0x0] =	vst.idx.add.f32.msk $0xffff, v2  }
0x49: {  	s3 =	simm.s32 $0x10800;
	[tilespmem:v5+s28+$0x0] =	vst.idx.add.f32.msk $0xffff, v2  }
0x4a: {  	s8 =	simm.s32 $0x11000;
	[tilespmem:v6+s3+$0x0] =	vst.idx.add.f32.msk $0xffff, v2  }
0x4b: {  	s15 =	simm.s32 $0x11800;
	[tilespmem:v7+s8+$0x0] =	vst.idx.add.f32.msk $0xffff, v2  }
0x4c: {  	[tilespmem:v3+s15+$0x0] =	vst.idx.add.f32.msk $0xffff, v2  }
0x4d: {  	v3 =	vld [tilespmem:s9+$0x880]  }
0x4e: {  	v4 =	vld [tilespmem:s9+$0x890]  }
0x4f: {  	v5 =	vld [tilespmem:s9+$0x8A0]  }
0x50: {  	v6 =	vld [tilespmem:s9+$0x8B0]  }
0x51: {  	v7 =	vld [tilespmem:s9+$0x8C0]  }
0x52: {  	v8 =	vld [tilespmem:s9+$0x8D0]  }
0x53: {  	v33 =	vld [tilespmem:s9+$0x8E0]  }
0x54: {  	v34 =	vld [tilespmem:s9+$0x8F0]  }
0x55: {  	v35 =	vld [tilespmem:s9+$0xC80]  }
0x56: {  	v36 =	vld [tilespmem:s9+$0xC90]  }
0x57: {  	v37 =	vld [tilespmem:s9+$0xCA0]  }
0x58: {  	v38 =	vld [tilespmem:s9+$0xCB0];
	v3 =	vadd.s32 v1, v3  }
0x59: {  	v39 =	vld [tilespmem:s9+$0xCC0];
	v4 =	vadd.s32 v1, v4  }
0x5a: {  	v40 =	vld [tilespmem:s9+$0xCD0];
	v5 =	vadd.s32 v1, v5  }
0x5b: {  	v41 =	vld [tilespmem:s9+$0xCE0];
	v6 =	vadd.s32 v1, v6  }
0x5c: {  	s10 =	simm.s32 $0x12000;
	v42 =	vld [tilespmem:s9+$0xCF0];
	v7 =	vadd.s32 v1, v7  }
0x5d: {  	[tilespmem:v3+s10+$0x0] =	vst.idx.add.f32.msk $0xffff, v2;
	v3 =	vadd.s32 v1, v8  }
0x5e: {  	s11 =	simm.s32 $0x13000;
	[tilespmem:v4+s30+$0x0] =	vst.idx.add.f32.msk $0xffff, v2;
	v4 =	vadd.s32 v1, v33  }
0x5f: {  	[tilespmem:v5+s11+$0x0] =	vst.idx.add.f32.msk $0xffff, v2;
	v5 =	vadd.s32 v1, v34  }
0x60: {  	s0 =	simm.s32 $0x14000;
	[tilespmem:v6+s31+$0x0] =	vst.idx.add.f32.msk $0xffff, v2;
	v6 =	vadd.s32 v1, v35  }
0x61: {  	s1 =	simm.s32 $0x14800;
	[tilespmem:v7+s0+$0x0] =	vst.idx.add.f32.msk $0xffff, v2;
	v7 =	vadd.s32 v1, v36  }
0x62: {  	s6 =	simm.s32 $0x15000;
	[tilespmem:v3+s1+$0x0] =	vst.idx.add.f32.msk $0xffff, v2;
	v3 =	vadd.s32 v1, v37  }
0x63: {  	s7 =	simm.s32 $0x15800;
	[tilespmem:v4+s6+$0x0] =	vst.idx.add.f32.msk $0xffff, v2;
	v4 =	vadd.s32 v1, v38  }
0x64: {  	s2 =	simm.s32 $0x16000;
	[tilespmem:v5+s7+$0x0] =	vst.idx.add.f32.msk $0xffff, v2;
	v5 =	vadd.s32 v1, v39  }
0x65: {  	s4 =	simm.s32 $0x16800;
	[tilespmem:v6+s2+$0x0] =	vst.idx.add.f32.msk $0xffff, v2;
	v6 =	vadd.s32 v1, v40  }
0x66: {  	s5 =	simm.s32 $0x17000;
	[tilespmem:v7+s4+$0x0] =	vst.idx.add.f32.msk $0xffff, v2;
	v7 =	vadd.s32 v1, v41  }
0x67: {  	s16 =	simm.s32 $0x17800;
	[tilespmem:v3+s5+$0x0] =	vst.idx.add.f32.msk $0xffff, v2;
	v3 =	vadd.s32 v1, v42  }
0x68: {  	s17 =	simm.s32 $0x18000;
	[tilespmem:v4+s16+$0x0] =	vst.idx.add.f32.msk $0xffff, v2  }
0x69: {  	[tilespmem:v5+s17+$0x0] =	vst.idx.add.f32.msk $0xffff, v2;
	s17 =	simm.s32 $0x18800  }
0x6a: {  	[tilespmem:v6+s17+$0x0] =	vst.idx.add.f32.msk $0xffff, v2;
	s17 =	simm.s32 $0x19000  }
0x6b: {  	[tilespmem:v7+s17+$0x0] =	vst.idx.add.f32.msk $0xffff, v2;
	s17 =	simm.s32 $0x19800  }
0x6c: {  	[tilespmem:v3+s17+$0x0] =	vst.idx.add.f32.msk $0xffff, v2  }
0x6d: {  	v3 =	vld [tilespmem:s9+$0x0]  }
0x6e: {  	v4 =	vld [tilespmem:s9+$0x10]  }
0x6f: {  	v5 =	vld [tilespmem:s9+$0x20]  }
0x70: {  	v6 =	vld [tilespmem:s9+$0x30]  }
0x71: {  	v7 =	vld [tilespmem:s9+$0x40]  }
0x72: {  	v8 =	vld [tilespmem:s9+$0x50];
	v3 =	vadd.s32 v1, v3  }
0x73: {  	v49 =	vld [tilespmem:s9+$0x440];
	v4 =	vadd.s32 v1, v4  }
0x74: {  	v50 =	vld [tilespmem:s9+$0x450];
	v5 =	vadd.s32 v1, v5  }
0x75: {  	v51 =	vld [tilespmem:s9+$0x460];
	v6 =	vadd.s32 v1, v6  }
0x76: {  	v52 =	vld [tilespmem:s9+$0x470];
	v7 =	vadd.s32 v1, v7  }
0x77: {  	v8 =	vadd.s32 v1, v8;
	[tilespmem:v3+s13+$0x0] =	vst.idx.add.f32.msk $0xffff, v2  }
0x78: {  	v3 =	vadd.s32 v1, v43;
	[tilespmem:v4+s14+$0x0] =	vst.idx.add.f32.msk $0xffff, v2  }
0x79: {  	v4 =	vadd.s32 v1, v44;
	[tilespmem:v5+s12+$0x0] =	vst.idx.add.f32.msk $0xffff, v2  }
0x7a: {  	v5 =	vadd.s32 v1, v45;
	[tilespmem:v6+s18+$0x0] =	vst.idx.add.f32.msk $0xffff, v2  }
0x7b: {  	v6 =	vadd.s32 v1, v46;
	[tilespmem:v7+s19+$0x0] =	vst.idx.add.f32.msk $0xffff, v2  }
0x7c: {  	v7 =	vadd.s32 v1, v47;
	[tilespmem:v8+s20+$0x0] =	vst.idx.add.f32.msk $0xffff, v2  }
0x7d: {  	v8 =	vadd.s32 v1, v48;
	[tilespmem:v3+s21+$0x0] =	vst.idx.add.f32.msk $0xffff, v2  }
0x7e: {  	v3 =	vadd.s32 v1, v49;
	[tilespmem:v4+s22+$0x0] =	vst.idx.add.f32.msk $0xffff, v2  }
0x7f: {  	v4 =	vadd.s32 v1, v50;
	[tilespmem:v5+s23+$0x0] =	vst.idx.add.f32.msk $0xffff, v2  }
0x80: {  	v5 =	vadd.s32 v1, v51;
	[tilespmem:v6+s24+$0x0] =	vst.idx.add.f32.msk $0xffff, v2  }
0x81: {  	v6 =	vadd.s32 v1, v52;
	[tilespmem:v7+s25+$0x0] =	vst.idx.add.f32.msk $0xffff, v2  }
0x82: {  	[tilespmem:v8+s26+$0x0] =	vst.idx.add.f32.msk $0xffff, v2  }
0x83: {  	[tilespmem:v3+s28+$0x0] =	vst.idx.add.f32.msk $0xffff, v2  }
0x84: {  	[tilespmem:v4+s3+$0x0] =	vst.idx.add.f32.msk $0xffff, v2  }
0x85: {  	[tilespmem:v5+s8+$0x0] =	vst.idx.add.f32.msk $0xffff, v2  }
0x86: {  	[tilespmem:v6+s15+$0x0] =	vst.idx.add.f32.msk $0xffff, v2  }
0x87: {  	v3 =	vld [tilespmem:s9+$0x800]  }
0x88: {  	v4 =	vld [tilespmem:s9+$0x810]  }
0x89: {  	v5 =	vld [tilespmem:s9+$0x820]  }
0x8a: {  	v6 =	vld [tilespmem:s9+$0x830]  }
0x8b: {  	v7 =	vld [tilespmem:s9+$0x840]  }
0x8c: {  	v8 =	vld [tilespmem:s9+$0x850]  }
0x8d: {  	v53 =	vld [tilespmem:s9+$0x860]  }
0x8e: {  	v54 =	vld [tilespmem:s9+$0x870]  }
0x8f: {  	v55 =	vld [tilespmem:s9+$0xC00]  }
0x90: {  	v56 =	vld [tilespmem:s9+$0xC10]  }
0x91: {  	v57 =	vld [tilespmem:s9+$0xC20]  }
0x92: {  	v58 =	vld [tilespmem:s9+$0xC30];
	v3 =	vadd.s32 v1, v3  }
0x93: {  	v59 =	vld [tilespmem:s9+$0xC40];
	v4 =	vadd.s32 v1, v4  }
0x94: {  	v60 =	vld [tilespmem:s9+$0xC50];
	v5 =	vadd.s32 v1, v5  }
0x95: {  	v61 =	vld [tilespmem:s9+$0xC60];
	v6 =	vadd.s32 v1, v6  }
0x96: {  	v62 =	vld [tilespmem:s9+$0xC70];
	v7 =	vadd.s32 v1, v7  }
0x97: {  	v8 =	vadd.s32 v1, v8;
	[tilespmem:v3+s10+$0x0] =	vst.idx.add.f32.msk $0xffff, v2  }
0x98: {  	v3 =	vadd.s32 v1, v53;
	[tilespmem:v4+s30+$0x0] =	vst.idx.add.f32.msk $0xffff, v2  }
0x99: {  	v4 =	vadd.s32 v1, v54;
	[tilespmem:v5+s11+$0x0] =	vst.idx.add.f32.msk $0xffff, v2  }
0x9a: {  	v5 =	vadd.s32 v1, v55;
	[tilespmem:v6+s31+$0x0] =	vst.idx.add.f32.msk $0xffff, v2  }
0x9b: {  	v6 =	vadd.s32 v1, v56;
	[tilespmem:v7+s0+$0x0] =	vst.idx.add.f32.msk $0xffff, v2  }
0x9c: {  	v63 =	vadd.s32 v1, v57;
	[tilespmem:v8+s1+$0x0] =	vst.idx.add.f32.msk $0xffff, v2  }
0x9d: {  	[tilespmem:v3+s6+$0x0] =	vst.idx.add.f32.msk $0xffff, v2  }
0x9e: {  	[tilespmem:v4+s7+$0x0] =	vst.idx.add.f32.msk $0xffff, v2  }
0x9f: {  	v3 =	vadd.s32 v1, v58;
	[tilespmem:v5+s2+$0x0] =	vst.idx.add.f32.msk $0xffff, v2  }
0xa0: {  	v7 =	vadd.s32 v1, v59;
	v4 =	vadd.s32 v1, v60;
	[tilespmem:v6+s4+$0x0] =	vst.idx.add.f32.msk $0xffff, v2  }
0xa1: {  	s9 =	simm.s32 $0x0;
	s10 =	simm.s32 $0x0;
	s11 =	simm.s32 $0x0;
	v5 =	vadd.s32 v1, v61;
	v6 =	vadd.s32 v1, v62;
	[tilespmem:v63+s5+$0x0] =	vst.idx.add.f32.msk $0xffff, v2  }
.LBB2_6:
0xa2: {  	_ = 	snop  }
0xa3: {  	s17 =	simm.s32 $0x17800  }
0xa4: {  	s12 =	rddreg [dreg:$0x3];
	s5 =	simm.s32 $0x18000;
	s10 =	sadd.s32 $0x400, s10;
	[tilespmem:v3+s17+$0x0] =	vst.idx.add.f32.msk $0xffff, v2  }
0xa5: {  	s4 =	simm.s32 $0x18800;
	s11 =	sadd.s32 $0x100, s11;
	s13 =	sand.u32 $0x7000, s10;
	[tilespmem:v7+s5+$0x0] =	vst.idx.add.f32.msk $0xffff, v2  }
0xa6: {  	s2 =	simm.s32 $0x19000;
	s14 =	sand.u32 $0x300, s11;
	s12 =	sadd.s32 s13, s12;
	[tilespmem:v4+s4+$0x0] =	vst.idx.add.f32.msk $0xffff, v2  }
0xa7: {  	s12 =	sadd.s32 s14, s12;
	[tilespmem:v5+s2+$0x0] =	vst.idx.add.f32.msk $0xffff, v2  }
0xa8: {  	v3 =	vld [tilespmem:s12+$0x80]  }
0xa9: {  	v4 =	vld [tilespmem:s12+$0x90]  }
0xaa: {  	v5 =	vld [tilespmem:s12+$0xA0]  }
0xab: {  	v7 =	vld [tilespmem:s12+$0xC0]  }
0xac: {  	v8 =	vld [tilespmem:s12+$0xD0]  }
0xad: {  	v9 =	vld [tilespmem:s12+$0xE0]  }
0xae: {  	v10 =	vld [tilespmem:s12+$0xF0]  }
0xaf: {  	v11 =	vld [tilespmem:s12+$0x480]  }
0xb0: {  	v12 =	vld [tilespmem:s12+$0x490]  }
0xb1: {  	v13 =	vld [tilespmem:s12+$0x4A0]  }
0xb2: {  	v14 =	vld [tilespmem:s12+$0x4B0]  }
0xb3: {  	v15 =	vld [tilespmem:s12+$0x4C0]  }
0xb4: {  	v16 =	vld [tilespmem:s12+$0x4D0]  }
0xb5: {  	v17 =	vld [tilespmem:s12+$0x4E0]  }
0xb6: {  	s0 =	simm.s32 $0x19800;
	v18 =	vld [tilespmem:s12+$0x4F0]  }
0xb7: {  	[tilespmem:v6+s0+$0x0] =	vst.idx.add.f32.msk $0xffff, v2  }
0xb8: {  	v6 =	vld [tilespmem:s12+$0xB0]  }
0xb9: {  	v48 =	vld [tilespmem:s12+$0x60]  }
0xba: {  	v49 =	vld [tilespmem:s12+$0x70];
	v3 =	vadd.s32 v1, v3  }
0xbb: {  	v50 =	vld [tilespmem:s12+$0x400];
	v4 =	vadd.s32 v1, v4  }
0xbc: {  	v51 =	vld [tilespmem:s12+$0x410];
	v5 =	vadd.s32 v1, v5  }
0xbd: {  	v52 =	vld [tilespmem:s12+$0x420];
	v6 =	vadd.s32 v1, v6  }
0xbe: {  	s13 =	simm.s32 $0xA000;
	v53 =	vld [tilespmem:s12+$0x430];
	v7 =	vadd.s32 v1, v7  }
0xbf: {  	s14 =	simm.s32 $0xA800;
	[tilespmem:v3+s13+$0x0] =	vst.idx.add.f32.msk $0xffff, v2;
	v3 =	vadd.s32 v1, v8  }
0xc0: {  	s18 =	simm.s32 $0xB000;
	[tilespmem:v4+s14+$0x0] =	vst.idx.add.f32.msk $0xffff, v2;
	v4 =	vadd.s32 v1, v9  }
0xc1: {  	s19 =	simm.s32 $0xB800;
	[tilespmem:v5+s18+$0x0] =	vst.idx.add.f32.msk $0xffff, v2;
	v5 =	vadd.s32 v1, v10  }
0xc2: {  	s20 =	simm.s32 $0xC000;
	[tilespmem:v6+s19+$0x0] =	vst.idx.add.f32.msk $0xffff, v2;
	v6 =	vadd.s32 v1, v11  }
0xc3: {  	s21 =	simm.s32 $0xC800;
	[tilespmem:v7+s20+$0x0] =	vst.idx.add.f32.msk $0xffff, v2;
	v7 =	vadd.s32 v1, v12  }
0xc4: {  	s22 =	simm.s32 $0xD000;
	[tilespmem:v3+s21+$0x0] =	vst.idx.add.f32.msk $0xffff, v2;
	v3 =	vadd.s32 v1, v13  }
0xc5: {  	s23 =	simm.s32 $0xD800;
	[tilespmem:v4+s22+$0x0] =	vst.idx.add.f32.msk $0xffff, v2;
	v4 =	vadd.s32 v1, v14  }
0xc6: {  	s24 =	simm.s32 $0xE000;
	[tilespmem:v5+s23+$0x0] =	vst.idx.add.f32.msk $0xffff, v2;
	v5 =	vadd.s32 v1, v15  }
0xc7: {  	s25 =	simm.s32 $0xE800;
	[tilespmem:v6+s24+$0x0] =	vst.idx.add.f32.msk $0xffff, v2;
	v6 =	vadd.s32 v1, v16  }
0xc8: {  	s26 =	simm.s32 $0xF000;
	[tilespmem:v7+s25+$0x0] =	vst.idx.add.f32.msk $0xffff, v2;
	v7 =	vadd.s32 v1, v17  }
0xc9: {  	s28 =	simm.s32 $0xF800;
	[tilespmem:v3+s26+$0x0] =	vst.idx.add.f32.msk $0xffff, v2;
	v3 =	vadd.s32 v1, v18  }
0xca: {  	[tilespmem:v4+s28+$0x0] =	vst.idx.add.f32.msk $0xffff, v2  }
0xcb: {  	s3 =	simm.s32 $0x10800;
	[tilespmem:v5+s29+$0x0] =	vst.idx.add.f32.msk $0xffff, v2  }
0xcc: {  	s8 =	simm.s32 $0x11000;
	[tilespmem:v6+s3+$0x0] =	vst.idx.add.f32.msk $0xffff, v2  }
0xcd: {  	s15 =	simm.s32 $0x11800;
	[tilespmem:v7+s8+$0x0] =	vst.idx.add.f32.msk $0xffff, v2  }
0xce: {  	[tilespmem:v3+s15+$0x0] =	vst.idx.add.f32.msk $0xffff, v2  }
0xcf: {  	v3 =	vld [tilespmem:s12+$0x880]  }
0xd0: {  	v4 =	vld [tilespmem:s12+$0x890]  }
0xd1: {  	v5 =	vld [tilespmem:s12+$0x8A0]  }
0xd2: {  	v6 =	vld [tilespmem:s12+$0x8B0]  }
0xd3: {  	v7 =	vld [tilespmem:s12+$0x8C0]  }
0xd4: {  	v8 =	vld [tilespmem:s12+$0x8D0]  }
0xd5: {  	v38 =	vld [tilespmem:s12+$0x8E0]  }
0xd6: {  	v39 =	vld [tilespmem:s12+$0x8F0]  }
0xd7: {  	v40 =	vld [tilespmem:s12+$0xC80]  }
0xd8: {  	v41 =	vld [tilespmem:s12+$0xC90]  }
0xd9: {  	v42 =	vld [tilespmem:s12+$0xCA0]  }
0xda: {  	v43 =	vld [tilespmem:s12+$0xCB0];
	v3 =	vadd.s32 v1, v3  }
0xdb: {  	v44 =	vld [tilespmem:s12+$0xCC0];
	v4 =	vadd.s32 v1, v4  }
0xdc: {  	v45 =	vld [tilespmem:s12+$0xCD0];
	v5 =	vadd.s32 v1, v5  }
0xdd: {  	v46 =	vld [tilespmem:s12+$0xCE0];
	v6 =	vadd.s32 v1, v6  }
0xde: {  	s30 =	simm.s32 $0x12000;
	v47 =	vld [tilespmem:s12+$0xCF0];
	v7 =	vadd.s32 v1, v7  }
0xdf: {  	[tilespmem:v3+s30+$0x0] =	vst.idx.add.f32.msk $0xffff, v2;
	s30 =	simm.s32 $0x12800;
	v3 =	vadd.s32 v1, v8  }
0xe0: {  	s31 =	simm.s32 $0x13000;
	[tilespmem:v4+s30+$0x0] =	vst.idx.add.f32.msk $0xffff, v2;
	v4 =	vadd.s32 v1, v38  }
0xe1: {  	[tilespmem:v5+s31+$0x0] =	vst.idx.add.f32.msk $0xffff, v2;
	s31 =	simm.s32 $0x13800;
	v5 =	vadd.s32 v1, v39  }
0xe2: {  	s1 =	simm.s32 $0x14000;
	[tilespmem:v6+s31+$0x0] =	vst.idx.add.f32.msk $0xffff, v2;
	v6 =	vadd.s32 v1, v40  }
0xe3: {  	s6 =	simm.s32 $0x14800;
	[tilespmem:v7+s1+$0x0] =	vst.idx.add.f32.msk $0xffff, v2;
	v7 =	vadd.s32 v1, v41  }
0xe4: {  	s7 =	simm.s32 $0x15000;
	[tilespmem:v3+s6+$0x0] =	vst.idx.add.f32.msk $0xffff, v2;
	v3 =	vadd.s32 v1, v42  }
0xe5: {  	s16 =	simm.s32 $0x15800;
	[tilespmem:v4+s7+$0x0] =	vst.idx.add.f32.msk $0xffff, v2;
	v4 =	vadd.s32 v1, v43  }
0xe6: {  	s6 =	simm.s32 $0x16000;
	[tilespmem:v5+s16+$0x0] =	vst.idx.add.f32.msk $0xffff, v2;
	v5 =	vadd.s32 v1, v44  }
0xe7: {  	s7 =	simm.s32 $0x16800;
	[tilespmem:v6+s6+$0x0] =	vst.idx.add.f32.msk $0xffff, v2;
	v6 =	vadd.s32 v1, v45  }
0xe8: {  	s16 =	simm.s32 $0x17000;
	[tilespmem:v7+s7+$0x0] =	vst.idx.add.f32.msk $0xffff, v2;
	v7 =	vadd.s32 v1, v46  }
0xe9: {  	[tilespmem:v3+s16+$0x0] =	vst.idx.add.f32.msk $0xffff, v2;
	v3 =	vadd.s32 v1, v47  }
0xea: {  	[tilespmem:v4+s17+$0x0] =	vst.idx.add.f32.msk $0xffff, v2  }
0xeb: {  	[tilespmem:v5+s5+$0x0] =	vst.idx.add.f32.msk $0xffff, v2  }
0xec: {  	[tilespmem:v6+s4+$0x0] =	vst.idx.add.f32.msk $0xffff, v2  }
0xed: {  	[tilespmem:v7+s2+$0x0] =	vst.idx.add.f32.msk $0xffff, v2  }
0xee: {  	[tilespmem:v3+s0+$0x0] =	vst.idx.add.f32.msk $0xffff, v2  }
0xef: {  	v3 =	vld [tilespmem:s12+$0x0]  }
0xf0: {  	v4 =	vld [tilespmem:s12+$0x10]  }
0xf1: {  	v5 =	vld [tilespmem:s12+$0x20]  }
0xf2: {  	v6 =	vld [tilespmem:s12+$0x30]  }
0xf3: {  	v7 =	vld [tilespmem:s12+$0x40]  }
0xf4: {  	v8 =	vld [tilespmem:s12+$0x50];
	v3 =	vadd.s32 v1, v3  }
0xf5: {  	v54 =	vld [tilespmem:s12+$0x440];
	v4 =	vadd.s32 v1, v4  }
0xf6: {  	v55 =	vld [tilespmem:s12+$0x450];
	v5 =	vadd.s32 v1, v5  }
0xf7: {  	v56 =	vld [tilespmem:s12+$0x460];
	v6 =	vadd.s32 v1, v6  }
0xf8: {  	v57 =	vld [tilespmem:s12+$0x470];
	v7 =	vadd.s32 v1, v7  }
0xf9: {  	v8 =	vadd.s32 v1, v8;
	[tilespmem:v3+s13+$0x0] =	vst.idx.add.f32.msk $0xffff, v2  }
0xfa: {  	v9 =	vadd.s32 v1, v48;
	[tilespmem:v4+s14+$0x0] =	vst.idx.add.f32.msk $0xffff, v2  }
0xfb: {  	v10 =	vadd.s32 v1, v49;
	[tilespmem:v5+s18+$0x0] =	vst.idx.add.f32.msk $0xffff, v2  }
0xfc: {  	v11 =	vadd.s32 v1, v50;
	[tilespmem:v6+s19+$0x0] =	vst.idx.add.f32.msk $0xffff, v2  }
0xfd: {  	v12 =	vadd.s32 v1, v51;
	[tilespmem:v7+s20+$0x0] =	vst.idx.add.f32.msk $0xffff, v2  }
0xfe: {  	v13 =	vadd.s32 v1, v52;
	[tilespmem:v8+s21+$0x0] =	vst.idx.add.f32.msk $0xffff, v2  }
0xff: {  	v3 =	vadd.s32 v1, v53;
	[tilespmem:v9+s22+$0x0] =	vst.idx.add.f32.msk $0xffff, v2  }
0x100: {  	v4 =	vadd.s32 v1, v54;
	[tilespmem:v10+s23+$0x0] =	vst.idx.add.f32.msk $0xffff, v2  }
0x101: {  	v5 =	vadd.s32 v1, v55;
	[tilespmem:v11+s24+$0x0] =	vst.idx.add.f32.msk $0xffff, v2  }
0x102: {  	v6 =	vadd.s32 v1, v56;
	[tilespmem:v12+s25+$0x0] =	vst.idx.add.f32.msk $0xffff, v2  }
0x103: {  	v7 =	vadd.s32 v1, v57;
	[tilespmem:v13+s26+$0x0] =	vst.idx.add.f32.msk $0xffff, v2  }
0x104: {  	[tilespmem:v3+s28+$0x0] =	vst.idx.add.f32.msk $0xffff, v2  }
0x105: {  	[tilespmem:v4+s29+$0x0] =	vst.idx.add.f32.msk $0xffff, v2  }
0x106: {  	[tilespmem:v5+s3+$0x0] =	vst.idx.add.f32.msk $0xffff, v2  }
0x107: {  	[tilespmem:v6+s8+$0x0] =	vst.idx.add.f32.msk $0xffff, v2  }
0x108: {  	[tilespmem:v7+s15+$0x0] =	vst.idx.add.f32.msk $0xffff, v2  }
0x109: {  	v3 =	vld [tilespmem:s12+$0x800]  }
0x10a: {  	v4 =	vld [tilespmem:s12+$0x810]  }
0x10b: {  	v5 =	vld [tilespmem:s12+$0x820]  }
0x10c: {  	v6 =	vld [tilespmem:s12+$0x830]  }
0x10d: {  	v7 =	vld [tilespmem:s12+$0x840]  }
0x10e: {  	v8 =	vld [tilespmem:s12+$0x850]  }
0x10f: {  	v9 =	vld [tilespmem:s12+$0x860]  }
0x110: {  	v10 =	vld [tilespmem:s12+$0x870]  }
0x111: {  	v11 =	vld [tilespmem:s12+$0xC00]  }
0x112: {  	v12 =	vld [tilespmem:s12+$0xC10]  }
0x113: {  	v59 =	vld [tilespmem:s12+$0xC30]  }
0x114: {  	v60 =	vld [tilespmem:s12+$0xC40];
	v3 =	vadd.s32 v1, v3  }
0x115: {  	v61 =	vld [tilespmem:s12+$0xC50];
	v4 =	vadd.s32 v1, v4  }
0x116: {  	v62 =	vld [tilespmem:s12+$0xC60];
	v5 =	vadd.s32 v1, v5  }
0x117: {  	v63 =	vld [tilespmem:s12+$0xC70];
	v6 =	vadd.s32 v1, v6  }
0x118: {  	s19 =	simm.s32 $0x12000;
	v58 =	vadd.s32 v1, v7;
	v7 =	vld [tilespmem:s12+$0xC20]  }
0x119: {  	v8 =	vadd.s32 v1, v8;
	[tilespmem:v3+s19+$0x0] =	vst.idx.add.f32.msk $0xffff, v2  }
0x11a: {  	s20 =	simm.s32 $0x13000;
	v9 =	vadd.s32 v1, v9;
	[tilespmem:v4+s30+$0x0] =	vst.idx.add.f32.msk $0xffff, v2  }
0x11b: {  	v10 =	vadd.s32 v1, v10;
	[tilespmem:v5+s20+$0x0] =	vst.idx.add.f32.msk $0xffff, v2  }
0x11c: {  	s28 =	simm.s32 $0x14000;
	v11 =	vadd.s32 v1, v11;
	[tilespmem:v6+s31+$0x0] =	vst.idx.add.f32.msk $0xffff, v2  }
0x11d: {  	s9 =	sadd.s32 $0x2, s9;
	s26 =	simm.s32 $0x14800;
	v12 =	vadd.s32 v1, v12;
	[tilespmem:v58+s28+$0x0] =	vst.idx.add.f32.msk $0xffff, v2  }
0x11e: {  	p0 =	slt.u32 s9, $0x26;
	s25 =	simm.s32 $0x15000;
	v19 =	vadd.s32 v1, v7;
	[tilespmem:v8+s26+$0x0] =	vst.idx.add.f32.msk $0xffff, v2  }
.Ltmp1:
0x11f: {  	s24 =	simm.s32 $0x15800;
	[tilespmem:v9+s25+$0x0] =	vst.idx.add.f32.msk $0xffff, v2;
	(pc) =	sbr.rel @p0 .LBB2_6-.Ltmp1, $4  }
0x120: {  	s23 =	simm.s32 $0x16000;
	[tilespmem:v10+s24+$0x0] =	vst.idx.add.f32.msk $0xffff, v2  }
0x121: {  	s22 =	simm.s32 $0x16800;
	v3 =	vadd.s32 v1, v59;
	[tilespmem:v11+s23+$0x0] =	vst.idx.add.f32.msk $0xffff, v2  }
0x122: {  	s21 =	simm.s32 $0x17000;
	v7 =	vadd.s32 v1, v60;
	v4 =	vadd.s32 v1, v61;
	[tilespmem:v12+s22+$0x0] =	vst.idx.add.f32.msk $0xffff, v2  }
0x123: {  	s16 =	simm.s32 $0x18800;
	s17 =	simm.s32 $0x19800;
	v5 =	vadd.s32 v1, v62;
	v6 =	vadd.s32 v1, v63;
	[tilespmem:v19+s21+$0x0] =	vst.idx.add.f32.msk $0xffff, v2  }
0x124: {  	_ =	sdelay $0x2  }
0x125: {  	s0 =	simm.s32 $0x17800  }
0x126: {  	s26 =	simm.s32 $0x18000;
	[tilespmem:v3+s0+$0x0] =	vst.idx.add.f32.msk $0xffff, v2  }
0x127: {  	[tilespmem:v7+s26+$0x0] =	vst.idx.add.f32.msk $0xffff, v2  }
0x128: {  	s28 =	simm.s32 $0x19000;
	[tilespmem:v4+s16+$0x0] =	vst.idx.add.f32.msk $0xffff, v2  }
0x129: {  	[tilespmem:v5+s28+$0x0] =	vst.idx.add.f32.msk $0xffff, v2  }
0x12a: {  	[tilespmem:v6+s17+$0x0] =	vst.idx.add.f32.msk $0xffff, v2  }
0x12b: {  	s9 =	rddreg [dreg:$0x8]  }
0x12c: {  	p0 =	seq.s32 s9, $0x5  }
.Ltmp2:
0x12d: {  	_ = 	snop;
	(pc) =	sbr.rel @!p0 .LBB2_5-.Ltmp2, $1  }
0x12e: {  	_ =	sdelay $0x3  }
0x12f: {  	s9 =	simm.s32 $0x0;
	s10 =	rddreg [dreg:$0x5];
	s0 =	simm.s32 $0x3  }
0x130: {  	[hbm4b:s10+s9] =	stream.linear.scatter [tilespmem:s13], [sflag:$0x3], $0x10000, $0x38;
	[tilespmem:$0x1A000] =	vst v63  }
0x131: {  	_ =	swait.ge [sflag:s0], $0x10000  }
0x132: {  	s1 =	rddreg [dreg:$0x7]  }
0x133: {  	s28 =	rddreg [dreg:$0x6];
	s1 =	sadd.s32 $0x1, s1  }
0x134: {  	p0 =	sne.s32 s1, s28  }
.Ltmp3:
0x135: {  	_ = 	snop;
	(pc) =	sbr.rel @p0 .LBB2_1-.Ltmp3, $3  }
0x136: {  	_ =	sdelay $0x1  }
0x137: {  	[sflag:s0] =	ssyncset.done $0x0  }
0x138: {  	[sflag:s0] =	ssyncadd.s32 $0xFFFF0000  }
0x139: {  	_ =	sfence.sel $0x180000  }
0x13a: {  	[bflag:$0x0] =	sbarrier.arrive $0xFFFF  }
0x13b: {  	_ =	strace $0x90000047  }
0x13c: {  	s0 =	stileid.u32;
	[bflag:$0x2] =	sbarrier.arrive $0xFFFF  }
0x13d: {  	p0 =	sne.s32 s0, $0x0;
	s0 =	rddreg [dreg:$0x2]  }
0x13e: {  	s0 =	sadd.s32 @!p0 $0x100000, s0  }
0x13f: {  	[sflag:s0] =	ssyncadd.tile.s32 @!p0 $0x1;
	_ =	shalt  }
.Lfunc_end2:
_tile_overlayer_lowered:
.L_overlay_start_2:
0x140: {  	(tag) =	ssettag $0x2  }
0x141: {  	s0 =	rddreg [dreg:$0x0];
	s2 =	stileid.u32  }
0x142: {  	s1 =	rddreg [dreg:$0x1];
	p0 =	sne.s32 s2, $0x0  }
0x143: {  	s3 =	rddreg [dreg:$0x2];
	[bflag:$0x3] =	sbarrier.arrive $0xFFFF;
	s2 =	simm.s32 @!p0 $0x1C03  }
0x144: {  	[timem:s3], [sflag:s2] =	dma.local @!p0 [hbm:s0], s1  }
0x145: {  	s0 =	simm.s32 @!p0 $0x3  }
0x146: {  	_ =	swait.ge @!p0 [sflag:s0], s1  }
0x147: {  	s1 =	ssub.s32 @!p0 $0x0, s1;
	[sflag:s0] =	ssyncset.done @!p0 $0x0  }
0x148: {  	[sflag:s0] =	ssyncadd.s32 @!p0 s1  }
0x149: {  	[bflag:$0x3] =	sbarrier.arrive $0xFFFF  }
0x14a: {  	_ =	shalt  }

</sc_bundles>
